<compile_context>
chip_gen: v7x
topology: tpu7x:2x2x1
jax: 0.10.2.dev20260603
libtpu: 0.0.44.dev20260713+nightly
codegen_flags: <defaults>
</compile_context>

<pallas_src>
import functools

import jax
import jax.numpy as jnp
from jax import lax
from jax.experimental import pallas as pl
from jax.experimental.pallas import tpu as pltpu
from jax.experimental.pallas import tpu_sc as plsc

N_NODES = 10000
N_PAD = 10240
E_EDGES = 320000
D = 128

NC = 2
NS = 16
NW = NC * NS
EPW = E_EDGES // NW
CHUNK = 128
CHUNKS = -(-EPW // CHUNK)
EPW_PAD = CHUNKS * CHUNK
ROWS_PER_TILE = N_PAD // NS
DUMMY = N_NODES

_MESH = plsc.VectorSubcoreMesh(core_axis_name="c", subcore_axis_name="s")


def _degree_call(src_blocks):

    @functools.partial(
        pl.kernel,
        out_type=jax.ShapeDtypeStruct((NC, N_PAD), jnp.float32),
        mesh=_MESH,
        scratch_types=[
            pltpu.VMEM((CHUNKS, CHUNK), jnp.int32),
            pltpu.VMEM((CHUNK,), jnp.float32),
            pltpu.VMEM((ROWS_PER_TILE,), jnp.float32),
            pltpu.VMEM_SHARED((N_PAD,), jnp.float32),
            pltpu.SemaphoreType.DMA,
        ],
    )
    def k(src_hbm, deg_out, idx_v, ones_v, zero_v, deg_sh, sem):
        c = lax.axis_index("c")
        s = lax.axis_index("s")

        @pl.loop(0, CHUNK, step=16)
        def _(i):
            ones_v[pl.ds(i, 16)] = jnp.ones((16,), jnp.float32)

        @pl.loop(0, ROWS_PER_TILE, step=16)
        def _(i):
            zero_v[pl.ds(i, 16)] = jnp.zeros((16,), jnp.float32)

        pltpu.sync_copy(zero_v, deg_sh.at[pl.ds(s * ROWS_PER_TILE, ROWS_PER_TILE)])
        pltpu.sync_copy(src_hbm.at[c, s], idx_v)
        plsc.subcore_barrier()

        @pl.loop(0, CHUNKS)
        def _(j):
            pltpu.async_copy(ones_v, deg_sh.at[idx_v.at[j]], sem, add=True)

        @pl.loop(0, CHUNKS)
        def _(j):
            pltpu.make_async_copy(ones_v, deg_sh.at[idx_v.at[0]], sem).wait()

        plsc.subcore_barrier()
        pltpu.sync_copy(
            deg_sh.at[pl.ds(s * ROWS_PER_TILE, ROWS_PER_TILE)],
            deg_out.at[c, pl.ds(s * ROWS_PER_TILE, ROWS_PER_TILE)],
        )

    return k(src_blocks)


def _spmm_call(y_pad, src_blocks, dst_blocks):

    @functools.partial(
        pl.kernel,
        out_type=jax.ShapeDtypeStruct((NC, N_PAD, D), jnp.float32),
        mesh=_MESH,
        scratch_types=[
            pltpu.VMEM((CHUNKS, CHUNK), jnp.int32),
            pltpu.VMEM((CHUNKS, CHUNK), jnp.int32),
            pltpu.VMEM((CHUNK, D), jnp.float32),
            pltpu.VMEM((16, D), jnp.float32),
            pltpu.VMEM_SHARED((N_PAD, D), jnp.float32),
        ],
    )
    def k(y_hbm, src_hbm, dst_hbm, out_hbm, sidx_v, didx_v, rows_v, zero_v,
          agg_sh):
        c = lax.axis_index("c")
        s = lax.axis_index("s")

        @pl.loop(0, 16)
        def _(r):
            @pl.loop(0, D, step=16)
            def _(l):
                zero_v[r, pl.ds(l, 16)] = jnp.zeros((16,), jnp.float32)

        @pl.loop(0, ROWS_PER_TILE, step=16)
        def _(r):
            pltpu.sync_copy(zero_v, agg_sh.at[pl.ds(s * ROWS_PER_TILE + r, 16)])

        pltpu.sync_copy(src_hbm.at[c, s], sidx_v)
        pltpu.sync_copy(dst_hbm.at[c, s], didx_v)
        plsc.subcore_barrier()

        @pl.loop(0, CHUNKS)
        def _(j):
            pltpu.sync_copy(y_hbm.at[didx_v.at[j]], rows_v)
            pltpu.sync_copy(rows_v, agg_sh.at[sidx_v.at[j]], add=True)

        plsc.subcore_barrier()
        pltpu.sync_copy(
            agg_sh.at[pl.ds(s * ROWS_PER_TILE, ROWS_PER_TILE)],
            out_hbm.at[c, pl.ds(s * ROWS_PER_TILE, ROWS_PER_TILE)],
        )

    return k(y_pad, src_blocks, dst_blocks)


_BR = 1280


def _scale_call(deg0, deg1, x_pad):

    def body(d0_ref, d1_ref, x_ref, y_ref, dinv_ref):
        deg = d0_ref[...] + d1_ref[...]
        dinv = jnp.where(deg == 0.0, 1.0, lax.rsqrt(deg))
        dinv_ref[...] = dinv
        y_ref[...] = dinv * x_ref[...]

    return pl.pallas_call(
        body,
        grid=(N_PAD // _BR,),
        in_specs=[
            pl.BlockSpec((_BR, 1), lambda i: (i, 0)),
            pl.BlockSpec((_BR, 1), lambda i: (i, 0)),
            pl.BlockSpec((_BR, D), lambda i: (i, 0)),
        ],
        out_specs=[
            pl.BlockSpec((_BR, D), lambda i: (i, 0)),
            pl.BlockSpec((_BR, 1), lambda i: (i, 0)),
        ],
        out_shape=[
            jax.ShapeDtypeStruct((N_PAD, D), jnp.float32),
            jax.ShapeDtypeStruct((N_PAD, 1), jnp.float32),
        ],
    )(deg0, deg1, x_pad)


def _output_call(q0, q1, dinv, w):

    def body(q0_ref, q1_ref, dinv_ref, w_ref, o_ref):
        agg = (q0_ref[...] + q1_ref[...]) * dinv_ref[...]
        o_ref[...] = jnp.dot(
            agg, w_ref[...],
            preferred_element_type=jnp.float32,
            precision=lax.Precision.HIGHEST,
        )

    return pl.pallas_call(
        body,
        grid=(N_PAD // _BR,),
        in_specs=[
            pl.BlockSpec((_BR, D), lambda i: (i, 0)),
            pl.BlockSpec((_BR, D), lambda i: (i, 0)),
            pl.BlockSpec((_BR, 1), lambda i: (i, 0)),
            pl.BlockSpec((D, D), lambda i: (0, 0)),
        ],
        out_specs=pl.BlockSpec((_BR, D), lambda i: (i, 0)),
        out_shape=jax.ShapeDtypeStruct((N_PAD, D), jnp.float32),
    )(q0, q1, dinv, w)


def kernel(x, edge_index, weight):
    x = x.astype(jnp.float32)
    src = edge_index[0].astype(jnp.int32)
    dst = edge_index[1].astype(jnp.int32)
    pad = jnp.full((NW, EPW_PAD - EPW), DUMMY, jnp.int32)
    src_b = jnp.concatenate([src.reshape(NW, EPW), pad], axis=1)
    src_b = src_b.reshape(NC, NS, CHUNKS, CHUNK)
    dst_b = jnp.concatenate([dst.reshape(NW, EPW), pad], axis=1)
    dst_b = dst_b.reshape(NC, NS, CHUNKS, CHUNK)
    x_pad = jnp.pad(x, ((0, N_PAD - N_NODES), (0, 0)))

    deg_parts = _degree_call(src_b)
    deg0 = deg_parts[0].reshape(N_PAD, 1)
    deg1 = deg_parts[1].reshape(N_PAD, 1)
    y_pad, dinv = _scale_call(deg0, deg1, x_pad)
    parts = _spmm_call(y_pad, src_b, dst_b)
    out = _output_call(parts[0], parts[1], dinv, weight.astype(jnp.float32))
    return out[:N_NODES]

# --- scband reference (transcript-rebuilt; emitter-appended) ---
"""Pipeline reference for scband-graph-conv-layer-41515153883727 (READ-ONLY COPY).

The authoritative reference and input builder live on the scoring server;
editing this copy changes nothing except your own understanding.
"""

import jax, jax.numpy as jnp
import numpy as np


def setup_inputs(seed: int = 0) -> dict:
    key = jax.random.key(seed)
    k_x, k_e, k_w = jax.random.split(key, 3)
    N, E, Din, Dout = 10000, 320000, 128, 128
    x = jax.random.normal(k_x, (N, Din), dtype=jnp.float32)
    edge_index = jax.random.randint(k_e, (2, E), 0, N, dtype=jnp.int64)
    # xavier_uniform init for weight [Din, Dout]
    limit = float(np.sqrt(6.0 / (Din + Dout)))
    weight = jax.random.uniform(k_w, (Din, Dout), dtype=jnp.float32, minval=-limit, maxval=limit)
    return {"x": x, "edge_index": edge_index, "weight": weight}


def reference(x, edge_index, weight):
    # Faithful math of: normalized_adj = D^{-1/2} A D^{-1/2}; out = normalized_adj @ x @ W
    # where A is the sparse COO adjacency built from edge_index with all-ones values
    # (duplicate edges accumulate, matching torch.sparse_coo_tensor semantics),
    # and D = rowsum(A) with zero degrees replaced by 1.
    num_nodes = x.shape[0]
    src = edge_index[0]
    dst = edge_index[1]
    ones = jnp.ones(edge_index.shape[1], dtype=x.dtype)
    degree = jax.ops.segment_sum(ones, src, num_segments=num_nodes)
    degree = jnp.where(degree == 0, jnp.ones_like(degree), degree)
    degree_inv_sqrt = jnp.power(degree, -0.5)
    # value on edge (src, dst) of normalized adjacency: d^{-1/2}[src] * 1 * d^{-1/2}[dst]
    edge_vals = degree_inv_sqrt[src] * degree_inv_sqrt[dst]
    # sparse mm: out[src] += edge_val * x[dst]
    gathered = edge_vals[:, None] * jnp.take(x, dst, axis=0)
    aggregated = jax.ops.segment_sum(gathered, src, num_segments=num_nodes)
    output = aggregated @ weight
    return output

if __name__ == "__main__":
    import jax
    _d = setup_inputs()
    print(jax.jit(kernel)(*tuple(_d.values())))

</pallas_src>

<mosaic_0001>
#map = affine_map<(d0, d1) -> (0, 0, 0, 0)>
#map1 = affine_map<(d0, d1) -> (0, 0)>
module attributes {stable_mosaic.version = 14 : i64} {
  func.func @k(%arg0: i32, %arg1: i32, %arg2: memref<2x16x79x128xi32, #tpu.memory_space<hbm>>, %arg3: memref<2x10240xf32, #tpu.memory_space<hbm>>, %arg4: memref<79x128xi32, #tpu.memory_space<vmem>>, %arg5: memref<128xf32, #tpu.memory_space<vmem>>, %arg6: memref<640xf32, #tpu.memory_space<vmem>>, %arg7: memref<10240xf32, #tpu.memory_space<vmem_shared>>, %arg8: memref<!tpu.dma_semaphore, #tpu.memory_space<semaphore_mem>>) attributes {dimension_semantics = [#tpu.dimension_semantics<core_parallel>, #tpu.dimension_semantics<subcore_parallel>], iteration_bounds = array<i64: 2, 16>, scalar_prefetch = 0 : i64, scratch_operands = 5 : i64, tpu.core_type = #tpu.core_type<sc_vector_subcore>, window_params = [{transform_indices = #map}, {transform_indices = #map1}]} {
    %scan3A = arith.constant 0 : i32
    %scan3A_0 = arith.constant 8 : i32
    %scan3A_1 = arith.addi %scan3A, %scan3A_0 : i32
    %scan3A_2 = arith.constant 1 : i32
    scf.for %scan3A_25 = %scan3A to %scan3A_1 step %scan3A_2  : i32 {
      %mul3A_26 = arith.constant 16 : i32
      %mul3A_27 = arith.muli %scan3A_25, %mul3A_26 : i32
      %add3A = arith.constant 0 : i32
      %add3A_28 = arith.addi %add3A, %mul3A_27 : i32
      %broadcast_in_dim3A = arith.constant 1.000000e+00 : f32
      %broadcast_in_dim3A_29 = vector.broadcast %broadcast_in_dim3A : f32 to vector<16xf32>
      %swap3A = arith.index_cast %add3A_28 : i32 to index
      %swap3A_30 = tpu.vector_load %arg5[%swap3A] {strides = array<i32>} : memref<128xf32, #tpu.memory_space<vmem>>, vector<16xf32>,
      %swap3A_31 = vector.shape_cast %swap3A_30 : vector<16xf32> to vector<16xf32>
      %swap3A_32 = vector.shape_cast %broadcast_in_dim3A_29 : vector<16xf32> to vector<16xf32>
      tpu.vector_store %arg5[%swap3A], %swap3A_32 {strides = array<i32>} : memref<128xf32, #tpu.memory_space<vmem>>, vector<16xf32>,
    }
    %scan3A_3 = arith.constant 8 : i32
    %scan3A_4 = arith.constant 0 : i32
    %scan3A_5 = arith.constant 40 : i32
    %scan3A_6 = arith.addi %scan3A_4, %scan3A_5 : i32
    %scan3A_7 = arith.constant 1 : i32
    scf.for %scan3A_25 = %scan3A_4 to %scan3A_6 step %scan3A_7  : i32 {
      %mul3A_26 = arith.constant 16 : i32
      %mul3A_27 = arith.muli %scan3A_25, %mul3A_26 : i32
      %add3A = arith.constant 0 : i32
      %add3A_28 = arith.addi %add3A, %mul3A_27 : i32
      %broadcast_in_dim3A = arith.constant 0.000000e+00 : f32
      %broadcast_in_dim3A_29 = vector.broadcast %broadcast_in_dim3A : f32 to vector<16xf32>
      %swap3A = arith.index_cast %add3A_28 : i32 to index
      %swap3A_30 = tpu.vector_load %arg6[%swap3A] {strides = array<i32>} : memref<640xf32, #tpu.memory_space<vmem>>, vector<16xf32>,
      %swap3A_31 = vector.shape_cast %swap3A_30 : vector<16xf32> to vector<16xf32>
      %swap3A_32 = vector.shape_cast %broadcast_in_dim3A_29 : vector<16xf32> to vector<16xf32>
      tpu.vector_store %arg6[%swap3A], %swap3A_32 {strides = array<i32>} : memref<640xf32, #tpu.memory_space<vmem>>, vector<16xf32>,
    }
    %scan3A_8 = arith.constant 40 : i32
    %mul3A = arith.constant 640 : i32
    %mul3A_9 = arith.muli %arg1, %mul3A : i32
    "tpu.region"() ({
      %run_scoped3A = tpu.sem_alloc : memref<!tpu.dma_semaphore, #tpu.memory_space<semaphore_mem>>
      %dma_start3A = tpu.memref_slice %arg7[%mul3A_9] : memref<10240xf32, #tpu.memory_space<vmem_shared>> -> memref<640xf32, #tpu.memory_space<vmem_shared>>
      %dma_start3A_25 = tpu.memref_slice %arg7[%mul3A_9] : memref<10240xf32, #tpu.memory_space<vmem_shared>> -> memref<640xf32, #tpu.memory_space<vmem_shared>>
      tpu.enqueue_dma source(%arg6 : memref<640xf32, #tpu.memory_space<vmem>>) target(%dma_start3A_25 : memref<640xf32, #tpu.memory_space<vmem_shared>>) target_semaphore(%run_scoped3A : memref<!tpu.dma_semaphore, #tpu.memory_space<semaphore_mem>>)
      %dma_wait3A = tpu.memref_slice %arg7[%mul3A_9] : memref<10240xf32, #tpu.memory_space<vmem_shared>> -> memref<640xf32, #tpu.memory_space<vmem_shared>>
      %dma_wait3A_26 = tpu.memref_slice %arg7[%mul3A_9] : memref<10240xf32, #tpu.memory_space<vmem_shared>> -> memref<640xf32, #tpu.memory_space<vmem_shared>>
      tpu.wait_dma2 semaphore(%run_scoped3A : memref<!tpu.dma_semaphore, #tpu.memory_space<semaphore_mem>>) src(%arg6 : memref<640xf32, #tpu.memory_space<vmem>>) dst(%dma_wait3A_26 : memref<640xf32, #tpu.memory_space<vmem_shared>>)
      tpu.yield
    }) : () -> ()
    "tpu.region"() ({
      %run_scoped3A = tpu.sem_alloc : memref<!tpu.dma_semaphore, #tpu.memory_space<semaphore_mem>>
      %dma_start3A = arith.constant 0 : i32
      %dma_start3A_25 = arith.constant 0 : i32
      %dma_start3A_26 = tpu.memref_slice %arg2[%arg0, %arg1, %dma_start3A, %dma_start3A_25] : memref<2x16x79x128xi32, #tpu.memory_space<hbm>> -> memref<1x1x79x128xi32, #tpu.memory_space<hbm>>
      %dma_start3A_27 = tpu.memref_squeeze %dma_start3A_26 : memref<1x1x79x128xi32, #tpu.memory_space<hbm>> -> memref<79x128xi32, #tpu.memory_space<hbm>>
      %dma_start3A_28 = arith.constant 0 : i32
      %dma_start3A_29 = arith.constant 0 : i32
      %dma_start3A_30 = tpu.memref_slice %arg2[%arg0, %arg1, %dma_start3A_28, %dma_start3A_29] : memref<2x16x79x128xi32, #tpu.memory_space<hbm>> -> memref<1x1x79x128xi32, #tpu.memory_space<hbm>>
      %dma_start3A_31 = tpu.memref_squeeze %dma_start3A_30 : memref<1x1x79x128xi32, #tpu.memory_space<hbm>> -> memref<79x128xi32, #tpu.memory_space<hbm>>
      tpu.enqueue_dma source(%dma_start3A_31 : memref<79x128xi32, #tpu.memory_space<hbm>>) target(%arg4 : memref<79x128xi32, #tpu.memory_space<vmem>>) target_semaphore(%run_scoped3A : memref<!tpu.dma_semaphore, #tpu.memory_space<semaphore_mem>>)
      %dma_wait3A = arith.constant 0 : i32
      %dma_wait3A_32 = arith.constant 0 : i32
      %dma_wait3A_33 = tpu.memref_slice %arg2[%arg0, %arg1, %dma_wait3A, %dma_wait3A_32] : memref<2x16x79x128xi32, #tpu.memory_space<hbm>> -> memref<1x1x79x128xi32, #tpu.memory_space<hbm>>
      %dma_wait3A_34 = tpu.memref_squeeze %dma_wait3A_33 : memref<1x1x79x128xi32, #tpu.memory_space<hbm>> -> memref<79x128xi32, #tpu.memory_space<hbm>>
      %dma_wait3A_35 = arith.constant 0 : i32
      %dma_wait3A_36 = arith.constant 0 : i32
      %dma_wait3A_37 = tpu.memref_slice %arg2[%arg0, %arg1, %dma_wait3A_35, %dma_wait3A_36] : memref<2x16x79x128xi32, #tpu.memory_space<hbm>> -> memref<1x1x79x128xi32, #tpu.memory_space<hbm>>
      %dma_wait3A_38 = tpu.memref_squeeze %dma_wait3A_37 : memref<1x1x79x128xi32, #tpu.memory_space<hbm>> -> memref<79x128xi32, #tpu.memory_space<hbm>>
      tpu.wait_dma2 semaphore(%run_scoped3A : memref<!tpu.dma_semaphore, #tpu.memory_space<semaphore_mem>>) src(%dma_wait3A_38 : memref<79x128xi32, #tpu.memory_space<hbm>>) dst(%arg4 : memref<79x128xi32, #tpu.memory_space<vmem>>)
      tpu.yield
    }) : () -> ()
    %barrier3A = arith.constant 0 : index
    tpu.barrier barrier_id(%barrier3A)
    %scan3A_10 = arith.constant 0 : i32
    %scan3A_11 = arith.constant 79 : i32
    %scan3A_12 = arith.addi %scan3A_10, %scan3A_11 : i32
    %scan3A_13 = arith.constant 1 : i32
    scf.for %scan3A_25 = %scan3A_10 to %scan3A_12 step %scan3A_13  : i32 {
      %mul3A_26 = arith.constant 1 : i32
      %mul3A_27 = arith.muli %scan3A_25, %mul3A_26 : i32
      %add3A = arith.constant 0 : i32
      %add3A_28 = arith.addi %add3A, %mul3A_27 : i32
      %dma_start3A = arith.constant 0 : i32
      %dma_start3A_29 = tpu.memref_slice %arg4[%add3A_28, %dma_start3A] : memref<79x128xi32, #tpu.memory_space<vmem>> -> memref<1x128xi32, #tpu.memory_space<vmem>>
      %dma_start3A_30 = tpu.memref_squeeze %dma_start3A_29 : memref<1x128xi32, #tpu.memory_space<vmem>> -> memref<128xi32, #tpu.memory_space<vmem>>
      %dma_start3A_31 = arith.constant 0 : i32
      %dma_start3A_32 = tpu.memref_slice %arg7[%dma_start3A_31] : memref<10240xf32, #tpu.memory_space<vmem_shared>> -> memref<10240xf32, #tpu.memory_space<vmem_shared>>
      tpu.enqueue_indirect_dma source(%arg5 : memref<128xf32, #tpu.memory_space<vmem>>) target(%dma_start3A_32 : memref<10240xf32, #tpu.memory_space<vmem_shared>>) offsets(%dma_start3A_30 : memref<128xi32, #tpu.memory_space<vmem>>) semaphore(%arg8 : memref<!tpu.dma_semaphore, #tpu.memory_space<semaphore_mem>>) {add = true}
    }
    %scan3A_14 = arith.constant 79 : i32
    %scan3A_15 = arith.constant 0 : i32
    %scan3A_16 = arith.constant 79 : i32
    %scan3A_17 = arith.addi %scan3A_15, %scan3A_16 : i32
    %scan3A_18 = arith.constant 1 : i32
    scf.for %scan3A_25 = %scan3A_15 to %scan3A_17 step %scan3A_18  : i32 {
      %mul3A_26 = arith.constant 1 : i32
      %mul3A_27 = arith.muli %scan3A_25, %mul3A_26 : i32
      %add3A = arith.constant 0 : i32
      %add3A_28 = arith.addi %add3A, %mul3A_27 : i32
      %dma_wait3A = arith.constant 0 : i32
      %dma_wait3A_29 = arith.constant 0 : i32
      %dma_wait3A_30 = tpu.memref_slice %arg4[%dma_wait3A, %dma_wait3A_29] : memref<79x128xi32, #tpu.memory_space<vmem>> -> memref<1x128xi32, #tpu.memory_space<vmem>>
      %dma_wait3A_31 = tpu.memref_squeeze %dma_wait3A_30 : memref<1x128xi32, #tpu.memory_space<vmem>> -> memref<128xi32, #tpu.memory_space<vmem>>
      %dma_wait3A_32 = arith.constant 0 : i32
      %dma_wait3A_33 = tpu.memref_slice %arg7[%dma_wait3A_32] : memref<10240xf32, #tpu.memory_space<vmem_shared>> -> memref<10240xf32, #tpu.memory_space<vmem_shared>>
      tpu.wait_indirect_dma semaphore(%arg8 : memref<!tpu.dma_semaphore, #tpu.memory_space<semaphore_mem>>) src(%arg5 : memref<128xf32, #tpu.memory_space<vmem>>) dst(%dma_wait3A_33 : memref<10240xf32, #tpu.memory_space<vmem_shared>>)
    }
    %scan3A_19 = arith.constant 79 : i32
    %barrier3A_20 = arith.constant 0 : index
    tpu.barrier barrier_id(%barrier3A_20)
    %mul3A_21 = arith.constant 640 : i32
    %mul3A_22 = arith.muli %arg1, %mul3A_21 : i32
    %mul3A_23 = arith.constant 640 : i32
    %mul3A_24 = arith.muli %arg1, %mul3A_23 : i32
    "tpu.region"() ({
      %run_scoped3A = tpu.sem_alloc : memref<!tpu.dma_semaphore, #tpu.memory_space<semaphore_mem>>
      %dma_start3A = tpu.memref_slice %arg3[%arg0, %mul3A_24] : memref<2x10240xf32, #tpu.memory_space<hbm>> -> memref<1x640xf32, #tpu.memory_space<hbm>>
      %dma_start3A_25 = tpu.memref_squeeze %dma_start3A : memref<1x640xf32, #tpu.memory_space<hbm>> -> memref<640xf32, #tpu.memory_space<hbm>>
      %dma_start3A_26 = tpu.memref_slice %arg7[%mul3A_22] : memref<10240xf32, #tpu.memory_space<vmem_shared>> -> memref<640xf32, #tpu.memory_space<vmem_shared>>
      tpu.enqueue_dma source(%dma_start3A_26 : memref<640xf32, #tpu.memory_space<vmem_shared>>) target(%dma_start3A_25 : memref<640xf32, #tpu.memory_space<hbm>>) target_semaphore(%run_scoped3A : memref<!tpu.dma_semaphore, #tpu.memory_space<semaphore_mem>>)
      %dma_wait3A = tpu.memref_slice %arg3[%arg0, %mul3A_24] : memref<2x10240xf32, #tpu.memory_space<hbm>> -> memref<1x640xf32, #tpu.memory_space<hbm>>
      %dma_wait3A_27 = tpu.memref_squeeze %dma_wait3A : memref<1x640xf32, #tpu.memory_space<hbm>> -> memref<640xf32, #tpu.memory_space<hbm>>
      %dma_wait3A_28 = tpu.memref_slice %arg7[%mul3A_22] : memref<10240xf32, #tpu.memory_space<vmem_shared>> -> memref<640xf32, #tpu.memory_space<vmem_shared>>
      tpu.wait_dma2 semaphore(%run_scoped3A : memref<!tpu.dma_semaphore, #tpu.memory_space<semaphore_mem>>) src(%dma_wait3A_28 : memref<640xf32, #tpu.memory_space<vmem_shared>>) dst(%dma_wait3A_27 : memref<640xf32, #tpu.memory_space<hbm>>)
      tpu.yield
    }) : () -> ()
    return
  }
}

#map = affine_map<(d0, d1) -> (0, 0)>
#map1 = affine_map<(d0, d1) -> (0, 0, 0, 0)>
#map2 = affine_map<(d0, d1) -> (0, 0, 0)>
module attributes {stable_mosaic.version = 14 : i64} {
  func.func @k(%arg0: i32, %arg1: i32, %arg2: memref<10240x128xf32, #tpu.memory_space<hbm>>, %arg3: memref<2x16x79x128xi32, #tpu.memory_space<hbm>>, %arg4: memref<2x16x79x128xi32, #tpu.memory_space<hbm>>, %arg5: memref<2x10240x128xf32, #tpu.memory_space<hbm>>, %arg6: memref<79x128xi32, #tpu.memory_space<vmem>>, %arg7: memref<79x128xi32, #tpu.memory_space<vmem>>, %arg8: memref<128x128xf32, #tpu.memory_space<vmem>>, %arg9: memref<16x128xf32, #tpu.memory_space<vmem>>, %arg10: memref<10240x128xf32, #tpu.memory_space<vmem_shared>>) attributes {dimension_semantics = [#tpu.dimension_semantics<core_parallel>, #tpu.dimension_semantics<subcore_parallel>], iteration_bounds = array<i64: 2, 16>, scalar_prefetch = 0 : i64, scratch_operands = 5 : i64, tpu.core_type = #tpu.core_type<sc_vector_subcore>, window_params = [{transform_indices = #map}, {transform_indices = #map1}, {transform_indices = #map1}, {transform_indices = #map2}]} {
    %scan3A = arith.constant 0 : i32
    %scan3A_0 = arith.constant 16 : i32
    %scan3A_1 = arith.addi %scan3A, %scan3A_0 : i32
    %scan3A_2 = arith.constant 1 : i32
    scf.for %scan3A_18 = %scan3A to %scan3A_1 step %scan3A_2  : i32 {
      %mul3A_19 = arith.constant 1 : i32
      %mul3A_20 = arith.muli %scan3A_18, %mul3A_19 : i32
      %add3A = arith.constant 0 : i32
      %add3A_21 = arith.addi %add3A, %mul3A_20 : i32
      %scan3A_22 = arith.constant 0 : i32
      %scan3A_23 = arith.constant 8 : i32
      %scan3A_24 = arith.addi %scan3A_22, %scan3A_23 : i32
      %scan3A_25 = arith.constant 1 : i32
      scf.for %scan3A_27 = %scan3A_22 to %scan3A_24 step %scan3A_25  : i32 {
        %mul3A_28 = arith.constant 16 : i32
        %mul3A_29 = arith.muli %scan3A_27, %mul3A_28 : i32
        %add3A_30 = arith.constant 0 : i32
        %add3A_31 = arith.addi %add3A_30, %mul3A_29 : i32
        %broadcast_in_dim3A = arith.constant 0.000000e+00 : f32
        %broadcast_in_dim3A_32 = vector.broadcast %broadcast_in_dim3A : f32 to vector<16xf32>
        %swap3A = arith.index_cast %add3A_21 : i32 to index
        %swap3A_33 = arith.index_cast %add3A_31 : i32 to index
        %swap3A_34 = tpu.vector_load %arg9[%swap3A, %swap3A_33] {strides = array<i32>} : memref<16x128xf32, #tpu.memory_space<vmem>>, vector<1x16xf32>,
        %swap3A_35 = vector.shape_cast %swap3A_34 : vector<1x16xf32> to vector<16xf32>
        %swap3A_36 = vector.shape_cast %broadcast_in_dim3A_32 : vector<16xf32> to vector<1x16xf32>
        tpu.vector_store %arg9[%swap3A, %swap3A_33], %swap3A_36 {strides = array<i32>} : memref<16x128xf32, #tpu.memory_space<vmem>>, vector<1x16xf32>,
      }
      %scan3A_26 = arith.constant 8 : i32
    }
    %scan3A_3 = arith.constant 16 : i32
    %scan3A_4 = arith.constant 0 : i32
    %scan3A_5 = arith.constant 40 : i32
    %scan3A_6 = arith.addi %scan3A_4, %scan3A_5 : i32
    %scan3A_7 = arith.constant 1 : i32
    scf.for %scan3A_18 = %scan3A_4 to %scan3A_6 step %scan3A_7  : i32 {
      %mul3A_19 = arith.constant 16 : i32
      %mul3A_20 = arith.muli %scan3A_18, %mul3A_19 : i32
      %add3A = arith.constant 0 : i32
      %add3A_21 = arith.addi %add3A, %mul3A_20 : i32
      %mul3A_22 = arith.constant 640 : i32
      %mul3A_23 = arith.muli %arg1, %mul3A_22 : i32
      %add3A_24 = arith.addi %mul3A_23, %add3A_21 : i32
      "tpu.region"() ({
        %run_scoped3A = tpu.sem_alloc : memref<!tpu.dma_semaphore, #tpu.memory_space<semaphore_mem>>
        %dma_start3A = arith.constant 0 : i32
        %dma_start3A_25 = tpu.memref_slice %arg10[%add3A_24, %dma_start3A] : memref<10240x128xf32, #tpu.memory_space<vmem_shared>> -> memref<16x128xf32, #tpu.memory_space<vmem_shared>>
        %dma_start3A_26 = arith.constant 0 : i32
        %dma_start3A_27 = tpu.memref_slice %arg10[%add3A_24, %dma_start3A_26] : memref<10240x128xf32, #tpu.memory_space<vmem_shared>> -> memref<16x128xf32, #tpu.memory_space<vmem_shared>>
        tpu.enqueue_dma source(%arg9 : memref<16x128xf32, #tpu.memory_space<vmem>>) target(%dma_start3A_27 : memref<16x128xf32, #tpu.memory_space<vmem_shared>>) target_semaphore(%run_scoped3A : memref<!tpu.dma_semaphore, #tpu.memory_space<semaphore_mem>>)
        %dma_wait3A = arith.constant 0 : i32
        %dma_wait3A_28 = tpu.memref_slice %arg10[%add3A_24, %dma_wait3A] : memref<10240x128xf32, #tpu.memory_space<vmem_shared>> -> memref<16x128xf32, #tpu.memory_space<vmem_shared>>
        %dma_wait3A_29 = arith.constant 0 : i32
        %dma_wait3A_30 = tpu.memref_slice %arg10[%add3A_24, %dma_wait3A_29] : memref<10240x128xf32, #tpu.memory_space<vmem_shared>> -> memref<16x128xf32, #tpu.memory_space<vmem_shared>>
        tpu.wait_dma2 semaphore(%run_scoped3A : memref<!tpu.dma_semaphore, #tpu.memory_space<semaphore_mem>>) src(%arg9 : memref<16x128xf32, #tpu.memory_space<vmem>>) dst(%dma_wait3A_30 : memref<16x128xf32, #tpu.memory_space<vmem_shared>>)
        tpu.yield
      }) : () -> ()
    }
    %scan3A_8 = arith.constant 40 : i32
    "tpu.region"() ({
      %run_scoped3A = tpu.sem_alloc : memref<!tpu.dma_semaphore, #tpu.memory_space<semaphore_mem>>
      %dma_start3A = arith.constant 0 : i32
      %dma_start3A_18 = arith.constant 0 : i32
      %dma_start3A_19 = tpu.memref_slice %arg3[%arg0, %arg1, %dma_start3A, %dma_start3A_18] : memref<2x16x79x128xi32, #tpu.memory_space<hbm>> -> memref<1x1x79x128xi32, #tpu.memory_space<hbm>>
      %dma_start3A_20 = tpu.memref_squeeze %dma_start3A_19 : memref<1x1x79x128xi32, #tpu.memory_space<hbm>> -> memref<79x128xi32, #tpu.memory_space<hbm>>
      %dma_start3A_21 = arith.constant 0 : i32
      %dma_start3A_22 = arith.constant 0 : i32
      %dma_start3A_23 = tpu.memref_slice %arg3[%arg0, %arg1, %dma_start3A_21, %dma_start3A_22] : memref<2x16x79x128xi32, #tpu.memory_space<hbm>> -> memref<1x1x79x128xi32, #tpu.memory_space<hbm>>
      %dma_start3A_24 = tpu.memref_squeeze %dma_start3A_23 : memref<1x1x79x128xi32, #tpu.memory_space<hbm>> -> memref<79x128xi32, #tpu.memory_space<hbm>>
      tpu.enqueue_dma source(%dma_start3A_24 : memref<79x128xi32, #tpu.memory_space<hbm>>) target(%arg6 : memref<79x128xi32, #tpu.memory_space<vmem>>) target_semaphore(%run_scoped3A : memref<!tpu.dma_semaphore, #tpu.memory_space<semaphore_mem>>)
      %dma_wait3A = arith.constant 0 : i32
      %dma_wait3A_25 = arith.constant 0 : i32
      %dma_wait3A_26 = tpu.memref_slice %arg3[%arg0, %arg1, %dma_wait3A, %dma_wait3A_25] : memref<2x16x79x128xi32, #tpu.memory_space<hbm>> -> memref<1x1x79x128xi32, #tpu.memory_space<hbm>>
      %dma_wait3A_27 = tpu.memref_squeeze %dma_wait3A_26 : memref<1x1x79x128xi32, #tpu.memory_space<hbm>> -> memref<79x128xi32, #tpu.memory_space<hbm>>
      %dma_wait3A_28 = arith.constant 0 : i32
      %dma_wait3A_29 = arith.constant 0 : i32
      %dma_wait3A_30 = tpu.memref_slice %arg3[%arg0, %arg1, %dma_wait3A_28, %dma_wait3A_29] : memref<2x16x79x128xi32, #tpu.memory_space<hbm>> -> memref<1x1x79x128xi32, #tpu.memory_space<hbm>>
      %dma_wait3A_31 = tpu.memref_squeeze %dma_wait3A_30 : memref<1x1x79x128xi32, #tpu.memory_space<hbm>> -> memref<79x128xi32, #tpu.memory_space<hbm>>
      tpu.wait_dma2 semaphore(%run_scoped3A : memref<!tpu.dma_semaphore, #tpu.memory_space<semaphore_mem>>) src(%dma_wait3A_31 : memref<79x128xi32, #tpu.memory_space<hbm>>) dst(%arg6 : memref<79x128xi32, #tpu.memory_space<vmem>>)
      tpu.yield
    }) : () -> ()
    "tpu.region"() ({
      %run_scoped3A = tpu.sem_alloc : memref<!tpu.dma_semaphore, #tpu.memory_space<semaphore_mem>>
      %dma_start3A = arith.constant 0 : i32
      %dma_start3A_18 = arith.constant 0 : i32
      %dma_start3A_19 = tpu.memref_slice %arg4[%arg0, %arg1, %dma_start3A, %dma_start3A_18] : memref<2x16x79x128xi32, #tpu.memory_space<hbm>> -> memref<1x1x79x128xi32, #tpu.memory_space<hbm>>
      %dma_start3A_20 = tpu.memref_squeeze %dma_start3A_19 : memref<1x1x79x128xi32, #tpu.memory_space<hbm>> -> memref<79x128xi32, #tpu.memory_space<hbm>>
      %dma_start3A_21 = arith.constant 0 : i32
      %dma_start3A_22 = arith.constant 0 : i32
      %dma_start3A_23 = tpu.memref_slice %arg4[%arg0, %arg1, %dma_start3A_21, %dma_start3A_22] : memref<2x16x79x128xi32, #tpu.memory_space<hbm>> -> memref<1x1x79x128xi32, #tpu.memory_space<hbm>>
      %dma_start3A_24 = tpu.memref_squeeze %dma_start3A_23 : memref<1x1x79x128xi32, #tpu.memory_space<hbm>> -> memref<79x128xi32, #tpu.memory_space<hbm>>
      tpu.enqueue_dma source(%dma_start3A_24 : memref<79x128xi32, #tpu.memory_space<hbm>>) target(%arg7 : memref<79x128xi32, #tpu.memory_space<vmem>>) target_semaphore(%run_scoped3A : memref<!tpu.dma_semaphore, #tpu.memory_space<semaphore_mem>>)
      %dma_wait3A = arith.constant 0 : i32
      %dma_wait3A_25 = arith.constant 0 : i32
      %dma_wait3A_26 = tpu.memref_slice %arg4[%arg0, %arg1, %dma_wait3A, %dma_wait3A_25] : memref<2x16x79x128xi32, #tpu.memory_space<hbm>> -> memref<1x1x79x128xi32, #tpu.memory_space<hbm>>
      %dma_wait3A_27 = tpu.memref_squeeze %dma_wait3A_26 : memref<1x1x79x128xi32, #tpu.memory_space<hbm>> -> memref<79x128xi32, #tpu.memory_space<hbm>>
      %dma_wait3A_28 = arith.constant 0 : i32
      %dma_wait3A_29 = arith.constant 0 : i32
      %dma_wait3A_30 = tpu.memref_slice %arg4[%arg0, %arg1, %dma_wait3A_28, %dma_wait3A_29] : memref<2x16x79x128xi32, #tpu.memory_space<hbm>> -> memref<1x1x79x128xi32, #tpu.memory_space<hbm>>
      %dma_wait3A_31 = tpu.memref_squeeze %dma_wait3A_30 : memref<1x1x79x128xi32, #tpu.memory_space<hbm>> -> memref<79x128xi32, #tpu.memory_space<hbm>>
      tpu.wait_dma2 semaphore(%run_scoped3A : memref<!tpu.dma_semaphore, #tpu.memory_space<semaphore_mem>>) src(%dma_wait3A_31 : memref<79x128xi32, #tpu.memory_space<hbm>>) dst(%arg7 : memref<79x128xi32, #tpu.memory_space<vmem>>)
      tpu.yield
    }) : () -> ()
    %barrier3A = arith.constant 0 : index
    tpu.barrier barrier_id(%barrier3A)
    %scan3A_9 = arith.constant 0 : i32
    %scan3A_10 = arith.constant 79 : i32
    %scan3A_11 = arith.addi %scan3A_9, %scan3A_10 : i32
    %scan3A_12 = arith.constant 1 : i32
    scf.for %scan3A_18 = %scan3A_9 to %scan3A_11 step %scan3A_12  : i32 {
      %mul3A_19 = arith.constant 1 : i32
      %mul3A_20 = arith.muli %scan3A_18, %mul3A_19 : i32
      %add3A = arith.constant 0 : i32
      %add3A_21 = arith.addi %add3A, %mul3A_20 : i32
      "tpu.region"() ({
        %run_scoped3A = tpu.sem_alloc : memref<!tpu.dma_semaphore, #tpu.memory_space<semaphore_mem>>
        %dma_start3A = arith.constant 0 : i32
        %dma_start3A_22 = tpu.memref_slice %arg7[%add3A_21, %dma_start3A] : memref<79x128xi32, #tpu.memory_space<vmem>> -> memref<1x128xi32, #tpu.memory_space<vmem>>
        %dma_start3A_23 = tpu.memref_squeeze %dma_start3A_22 : memref<1x128xi32, #tpu.memory_space<vmem>> -> memref<128xi32, #tpu.memory_space<vmem>>
        %dma_start3A_24 = arith.constant 0 : i32
        %dma_start3A_25 = arith.constant 0 : i32
        %dma_start3A_26 = tpu.memref_slice %arg2[%dma_start3A_24, %dma_start3A_25] : memref<10240x128xf32, #tpu.memory_space<hbm>> -> memref<10240x128xf32, #tpu.memory_space<hbm>>
        tpu.enqueue_indirect_dma source(%dma_start3A_26 : memref<10240x128xf32, #tpu.memory_space<hbm>>) target(%arg8 : memref<128x128xf32, #tpu.memory_space<vmem>>) offsets(%dma_start3A_23 : memref<128xi32, #tpu.memory_space<vmem>>) semaphore(%run_scoped3A : memref<!tpu.dma_semaphore, #tpu.memory_space<semaphore_mem>>)
        %dma_wait3A = arith.constant 0 : i32
        %dma_wait3A_27 = tpu.memref_slice %arg7[%add3A_21, %dma_wait3A] : memref<79x128xi32, #tpu.memory_space<vmem>> -> memref<1x128xi32, #tpu.memory_space<vmem>>
        %dma_wait3A_28 = tpu.memref_squeeze %dma_wait3A_27 : memref<1x128xi32, #tpu.memory_space<vmem>> -> memref<128xi32, #tpu.memory_space<vmem>>
        %dma_wait3A_29 = arith.constant 0 : i32
        %dma_wait3A_30 = arith.constant 0 : i32
        %dma_wait3A_31 = tpu.memref_slice %arg2[%dma_wait3A_29, %dma_wait3A_30] : memref<10240x128xf32, #tpu.memory_space<hbm>> -> memref<10240x128xf32, #tpu.memory_space<hbm>>
        tpu.wait_indirect_dma semaphore(%run_scoped3A : memref<!tpu.dma_semaphore, #tpu.memory_space<semaphore_mem>>) src(%dma_wait3A_31 : memref<10240x128xf32, #tpu.memory_space<hbm>>) dst(%arg8 : memref<128x128xf32, #tpu.memory_space<vmem>>)
        tpu.yield
      }) : () -> ()
      "tpu.region"() ({
        %run_scoped3A = tpu.sem_alloc : memref<!tpu.dma_semaphore, #tpu.memory_space<semaphore_mem>>
        %dma_start3A = arith.constant 0 : i32
        %dma_start3A_22 = tpu.memref_slice %arg6[%add3A_21, %dma_start3A] : memref<79x128xi32, #tpu.memory_space<vmem>> -> memref<1x128xi32, #tpu.memory_space<vmem>>
        %dma_start3A_23 = tpu.memref_squeeze %dma_start3A_22 : memref<1x128xi32, #tpu.memory_space<vmem>> -> memref<128xi32, #tpu.memory_space<vmem>>
        %dma_start3A_24 = arith.constant 0 : i32
        %dma_start3A_25 = arith.constant 0 : i32
        %dma_start3A_26 = tpu.memref_slice %arg10[%dma_start3A_24, %dma_start3A_25] : memref<10240x128xf32, #tpu.memory_space<vmem_shared>> -> memref<10240x128xf32, #tpu.memory_space<vmem_shared>>
        tpu.enqueue_indirect_dma source(%arg8 : memref<128x128xf32, #tpu.memory_space<vmem>>) target(%dma_start3A_26 : memref<10240x128xf32, #tpu.memory_space<vmem_shared>>) offsets(%dma_start3A_23 : memref<128xi32, #tpu.memory_space<vmem>>) semaphore(%run_scoped3A : memref<!tpu.dma_semaphore, #tpu.memory_space<semaphore_mem>>) {add = true}
        %dma_wait3A = arith.constant 0 : i32
        %dma_wait3A_27 = tpu.memref_slice %arg6[%add3A_21, %dma_wait3A] : memref<79x128xi32, #tpu.memory_space<vmem>> -> memref<1x128xi32, #tpu.memory_space<vmem>>
        %dma_wait3A_28 = tpu.memref_squeeze %dma_wait3A_27 : memref<1x128xi32, #tpu.memory_space<vmem>> -> memref<128xi32, #tpu.memory_space<vmem>>
        %dma_wait3A_29 = arith.constant 0 : i32
        %dma_wait3A_30 = arith.constant 0 : i32
        %dma_wait3A_31 = tpu.memref_slice %arg10[%dma_wait3A_29, %dma_wait3A_30] : memref<10240x128xf32, #tpu.memory_space<vmem_shared>> -> memref<10240x128xf32, #tpu.memory_space<vmem_shared>>
        tpu.wait_indirect_dma semaphore(%run_scoped3A : memref<!tpu.dma_semaphore, #tpu.memory_space<semaphore_mem>>) src(%arg8 : memref<128x128xf32, #tpu.memory_space<vmem>>) dst(%dma_wait3A_31 : memref<10240x128xf32, #tpu.memory_space<vmem_shared>>)
        tpu.yield
      }) : () -> ()
    }
    %scan3A_13 = arith.constant 79 : i32
    %barrier3A_14 = arith.constant 0 : index
    tpu.barrier barrier_id(%barrier3A_14)
    %mul3A = arith.constant 640 : i32
    %mul3A_15 = arith.muli %arg1, %mul3A : i32
    %mul3A_16 = arith.constant 640 : i32
    %mul3A_17 = arith.muli %arg1, %mul3A_16 : i32
    "tpu.region"() ({
      %run_scoped3A = tpu.sem_alloc : memref<!tpu.dma_semaphore, #tpu.memory_space<semaphore_mem>>
      %dma_start3A = arith.constant 0 : i32
      %dma_start3A_18 = tpu.memref_slice %arg5[%arg0, %mul3A_17, %dma_start3A] : memref<2x10240x128xf32, #tpu.memory_space<hbm>> -> memref<1x640x128xf32, #tpu.memory_space<hbm>>
      %dma_start3A_19 = tpu.memref_squeeze %dma_start3A_18 : memref<1x640x128xf32, #tpu.memory_space<hbm>> -> memref<640x128xf32, #tpu.memory_space<hbm>>
      %dma_start3A_20 = arith.constant 0 : i32
      %dma_start3A_21 = tpu.memref_slice %arg10[%mul3A_15, %dma_start3A_20] : memref<10240x128xf32, #tpu.memory_space<vmem_shared>> -> memref<640x128xf32, #tpu.memory_space<vmem_shared>>
      tpu.enqueue_dma source(%dma_start3A_21 : memref<640x128xf32, #tpu.memory_space<vmem_shared>>) target(%dma_start3A_19 : memref<640x128xf32, #tpu.memory_space<hbm>>) target_semaphore(%run_scoped3A : memref<!tpu.dma_semaphore, #tpu.memory_space<semaphore_mem>>)
      %dma_wait3A = arith.constant 0 : i32
      %dma_wait3A_22 = tpu.memref_slice %arg5[%arg0, %mul3A_17, %dma_wait3A] : memref<2x10240x128xf32, #tpu.memory_space<hbm>> -> memref<1x640x128xf32, #tpu.memory_space<hbm>>
      %dma_wait3A_23 = tpu.memref_squeeze %dma_wait3A_22 : memref<1x640x128xf32, #tpu.memory_space<hbm>> -> memref<640x128xf32, #tpu.memory_space<hbm>>
      %dma_wait3A_24 = arith.constant 0 : i32
      %dma_wait3A_25 = tpu.memref_slice %arg10[%mul3A_15, %dma_wait3A_24] : memref<10240x128xf32, #tpu.memory_space<vmem_shared>> -> memref<640x128xf32, #tpu.memory_space<vmem_shared>>
      tpu.wait_dma2 semaphore(%run_scoped3A : memref<!tpu.dma_semaphore, #tpu.memory_space<semaphore_mem>>) src(%dma_wait3A_25 : memref<640x128xf32, #tpu.memory_space<vmem_shared>>) dst(%dma_wait3A_23 : memref<640x128xf32, #tpu.memory_space<hbm>>)
      tpu.yield
    }) : () -> ()
    return
  }
}

module attributes {stable_mosaic.version = 14 : i64} {
  func.func @body(%arg0: i32, %arg1: memref<1280x1xf32, #tpu.memory_space<vmem>>, %arg2: memref<1280x1xf32, #tpu.memory_space<vmem>>, %arg3: memref<1280x128xf32, #tpu.memory_space<vmem>>, %arg4: memref<1280x128xf32, #tpu.memory_space<vmem>>, %arg5: memref<1280x1xf32, #tpu.memory_space<vmem>>) attributes {dimension_semantics = [#tpu.dimension_semantics<arbitrary>], iteration_bounds = array<i64: 8>, scalar_prefetch = 0 : i64, scratch_operands = 0 : i64, tpu.core_type = #tpu.core_type<tc>, window_params = [{transform_indices = @transform_0, window_bounds = array<i64: 1280, 1>}, {transform_indices = @transform_1, window_bounds = array<i64: 1280, 1>}, {transform_indices = @transform_2, window_bounds = array<i64: 1280, 128>}, {transform_indices = @transform_3, window_bounds = array<i64: 1280, 128>}, {transform_indices = @transform_4, window_bounds = array<i64: 1280, 1>}]} {
    %get3A = arith.constant 0 : index
    %get3A_0 = arith.constant 0 : index
    %get3A_1 = vector.load %arg1[%get3A, %get3A_0] : memref<1280x1xf32, #tpu.memory_space<vmem>>, vector<1280x1xf32>
    %get3A_2 = arith.constant 0 : index
    %get3A_3 = arith.constant 0 : index
    %get3A_4 = vector.load %arg2[%get3A_2, %get3A_3] : memref<1280x1xf32, #tpu.memory_space<vmem>>, vector<1280x1xf32>
    %add3A = arith.addf %get3A_1, %get3A_4 : vector<1280x1xf32>
    %eq3A = arith.constant 0.000000e+00 : f32
    %eq3A_5 = vector.broadcast %eq3A : f32 to vector<1280x1xf32>
    %eq3A_6 = arith.cmpf oeq, %add3A, %eq3A_5 : vector<1280x1xf32>
    %rsqrt3A = math.rsqrt %add3A : vector<1280x1xf32>
    %jit3A = arith.constant 1.000000e+00 : f32
    %broadcast_in_dim3A = vector.broadcast %jit3A : f32 to vector<1280x1xf32>
    %select_n3A = arith.select %eq3A_6, %broadcast_in_dim3A, %rsqrt3A : vector<1280x1xi1>, vector<1280x1xf32>
    %swap3A = arith.constant 0 : index
    %swap3A_7 = arith.constant 0 : index
    %swap3A_8 = vector.load %arg5[%swap3A, %swap3A_7] : memref<1280x1xf32, #tpu.memory_space<vmem>>, vector<1280x1xf32>
    tpu.vector_store %arg5[%swap3A, %swap3A_7], %select_n3A {strides = array<i32>} : memref<1280x1xf32, #tpu.memory_space<vmem>>, vector<1280x1xf32>,
    %get3A_9 = arith.constant 0 : index
    %get3A_10 = arith.constant 0 : index
    %get3A_11 = vector.load %arg3[%get3A_9, %get3A_10] : memref<1280x128xf32, #tpu.memory_space<vmem>>, vector<1280x128xf32>
    %mul3A = vector.broadcast %select_n3A : vector<1280x1xf32> to vector<1280x128xf32>
    %mul3A_12 = arith.mulf %mul3A, %get3A_11 : vector<1280x128xf32>
    %swap3A_13 = arith.constant 0 : index
    %swap3A_14 = arith.constant 0 : index
    %swap3A_15 = vector.load %arg4[%swap3A_13, %swap3A_14] : memref<1280x128xf32, #tpu.memory_space<vmem>>, vector<1280x128xf32>
    tpu.vector_store %arg4[%swap3A_13, %swap3A_14], %mul3A_12 {strides = array<i32>} : memref<1280x128xf32, #tpu.memory_space<vmem>>, vector<1280x128xf32>,
    return
  }
  func.func @transform_0(%arg0: i32) -> (i32, i32) {
    %c0_i32 = arith.constant 0 : i32
    %c0_i32_0 = arith.constant 0 : i32
    return %arg0, %c0_i32 : i32, i32
  }
  func.func @transform_1(%arg0: i32) -> (i32, i32) {
    %c0_i32 = arith.constant 0 : i32
    %c0_i32_0 = arith.constant 0 : i32
    return %arg0, %c0_i32 : i32, i32
  }
  func.func @transform_2(%arg0: i32) -> (i32, i32) {
    %c0_i32 = arith.constant 0 : i32
    %c0_i32_0 = arith.constant 0 : i32
    return %arg0, %c0_i32 : i32, i32
  }
  func.func @transform_3(%arg0: i32) -> (i32, i32) {
    %c0_i32 = arith.constant 0 : i32
    %c0_i32_0 = arith.constant 0 : i32
    return %arg0, %c0_i32 : i32, i32
  }
  func.func @transform_4(%arg0: i32) -> (i32, i32) {
    %c0_i32 = arith.constant 0 : i32
    %c0_i32_0 = arith.constant 0 : i32
    return %arg0, %c0_i32 : i32, i32
  }
}

module attributes {stable_mosaic.version = 14 : i64} {
  func.func @body(%arg0: i32, %arg1: memref<1280x128xf32, #tpu.memory_space<vmem>>, %arg2: memref<1280x128xf32, #tpu.memory_space<vmem>>, %arg3: memref<1280x1xf32, #tpu.memory_space<vmem>>, %arg4: memref<128x128xf32, #tpu.memory_space<vmem>>, %arg5: memref<1280x128xf32, #tpu.memory_space<vmem>>) attributes {dimension_semantics = [#tpu.dimension_semantics<arbitrary>], iteration_bounds = array<i64: 8>, scalar_prefetch = 0 : i64, scratch_operands = 0 : i64, tpu.core_type = #tpu.core_type<tc>, window_params = [{transform_indices = @transform_0, window_bounds = array<i64: 1280, 128>}, {transform_indices = @transform_1, window_bounds = array<i64: 1280, 128>}, {transform_indices = @transform_2, window_bounds = array<i64: 1280, 1>}, {pipeline_mode = #tpu.pipeline_mode<synchronous>, transform_indices = @transform_3, window_bounds = array<i64: 128, 128>}, {transform_indices = @transform_4, window_bounds = array<i64: 1280, 128>}]} {
    %get3A = arith.constant 0 : index
    %get3A_0 = arith.constant 0 : index
    %get3A_1 = vector.load %arg1[%get3A, %get3A_0] : memref<1280x128xf32, #tpu.memory_space<vmem>>, vector<1280x128xf32>
    %get3A_2 = arith.constant 0 : index
    %get3A_3 = arith.constant 0 : index
    %get3A_4 = vector.load %arg2[%get3A_2, %get3A_3] : memref<1280x128xf32, #tpu.memory_space<vmem>>, vector<1280x128xf32>
    %add3A = arith.addf %get3A_1, %get3A_4 : vector<1280x128xf32>
    %get3A_5 = arith.constant 0 : index
    %get3A_6 = arith.constant 0 : index
    %get3A_7 = vector.load %arg3[%get3A_5, %get3A_6] : memref<1280x1xf32, #tpu.memory_space<vmem>>, vector<1280x1xf32>
    %mul3A = vector.broadcast %get3A_7 : vector<1280x1xf32> to vector<1280x128xf32>
    %mul3A_8 = arith.mulf %add3A, %mul3A : vector<1280x128xf32>
    %get3A_9 = arith.constant 0 : index
    %get3A_10 = arith.constant 0 : index
    %get3A_11 = vector.load %arg4[%get3A_9, %get3A_10] : memref<128x128xf32, #tpu.memory_space<vmem>>, vector<128x128xf32>
    %dot_general3A = arith.constant dense<0.000000e+00> : vector<1280x128xf32>
    %dot_general3A_12 = tpu.matmul %mul3A_8, %get3A_11, %dot_general3A {dimension_numbers = #tpu.dot_dimension_numbers<[1], [0], [0], [1], [0, 0, 1, 1], [], []>, precision = #tpu.contract_precision<fp32>, transpose_lhs_hint = false} : vector<1280x128xf32>, vector<128x128xf32>, vector<1280x128xf32> -> vector<1280x128xf32>
    %swap3A = arith.constant 0 : index
    %swap3A_13 = arith.constant 0 : index
    %swap3A_14 = vector.load %arg5[%swap3A, %swap3A_13] : memref<1280x128xf32, #tpu.memory_space<vmem>>, vector<1280x128xf32>
    tpu.vector_store %arg5[%swap3A, %swap3A_13], %dot_general3A_12 {strides = array<i32>} : memref<1280x128xf32, #tpu.memory_space<vmem>>, vector<1280x128xf32>,
    return
  }
  func.func @transform_0(%arg0: i32) -> (i32, i32) {
    %c0_i32 = arith.constant 0 : i32
    %c0_i32_0 = arith.constant 0 : i32
    return %arg0, %c0_i32 : i32, i32
  }
  func.func @transform_1(%arg0: i32) -> (i32, i32) {
    %c0_i32 = arith.constant 0 : i32
    %c0_i32_0 = arith.constant 0 : i32
    return %arg0, %c0_i32 : i32, i32
  }
  func.func @transform_2(%arg0: i32) -> (i32, i32) {
    %c0_i32 = arith.constant 0 : i32
    %c0_i32_0 = arith.constant 0 : i32
    return %arg0, %c0_i32 : i32, i32
  }
  func.func @transform_3(%arg0: i32) -> (i32, i32) {
    %c0_i32 = arith.constant 0 : i32
    %c0_i32_0 = arith.constant 0 : i32
    %c0_i32_1 = arith.constant 0 : i32
    return %c0_i32, %c0_i32_0 : i32, i32
  }
  func.func @transform_4(%arg0: i32) -> (i32, i32) {
    %c0_i32 = arith.constant 0 : i32
    %c0_i32_0 = arith.constant 0 : i32
    return %arg0, %c0_i32 : i32, i32
  }
}

</mosaic_0001>

<sc_bundles>
// kernel: kernel.6.cloned.1.call-start
scs
__scs_entry_jumppad:
0x0: {  	(pc) =	sbr.rel $0x88, $3  }
0x1: {  	(tag) =	ssettag $0x0;
	lr =	simm.s32 $0x1  }
0x2: {  	[smem:$0x3F9E] =	sst lr;
	_ =	strace $0xD0000000  }
0x3: {  	_ = 	snop  }
0x4: {  	_ = 	snop  }
0x5: {  	_ = 	snop  }
0x6: {  	_ = 	snop  }
0x7: {  	_ = 	snop  }
__scs_overlays_trampoline_lowered:
0x8: {  	[smem:$0x3FAD] =	sst s0  }
0x9: {  	[smem:$0x3FAE] =	sst s1  }
0xa: {  	[smem:$0x3FAF] =	sst s2  }
0xb: {  	[smem:$0x3FB0] =	sst s3  }
0xc: {  	[smem:$0x3FB1] =	sst s4  }
0xd: {  	[smem:$0x3FB2] =	sst s5  }
0xe: {  	[smem:$0x3FB3] =	sst s6  }
0xf: {  	[smem:$0x3FB4] =	sst s7  }
0x10: {  	[smem:$0x3FB5] =	sst s8  }
0x11: {  	[smem:$0x3FB6] =	sst s9;
	s0 =	simm.s32 @!p0 $0x0  }
0x12: {  	s1 =	sld [smem:$0x3F9C];
	s0 =	simm.s32 @p0 $0x1  }
0x13: {  	[smem:$0x3FB7] =	sst s0;
	s0 =	simm.s32 @!p1 $0x0  }
0x14: {  	s2 =	sld [smem:$0x3F9B];
	s0 =	simm.s32 @p1 $0x1  }
0x15: {  	[smem:$0x3FB8] =	sst s0;
	s0 =	simm.s32 @!p2 $0x0  }
0x16: {  	s3 =	sld [smem:$0x3FDB];
	s0 =	simm.s32 @p2 $0x1  }
0x17: {  	s4 =	simm.s32 $0x1BF5;
	[smem:$0x3FBA] =	sst s0  }
0x18: {  	s0 =	sld [smem:$0x3F9D];
	_ =	swait.ge [sflag:s4], $0x0  }
0x19: {  	s7 =	sld [smem:$0x3F9E]  }
0x1a: {  	s8 =	sadd.s32 $0xFFFFE003, lr  }
0x1b: {  	s9 =	sadd.s32 $0xFFFFFEF7, lr;
	s5 =	simm.s32 $0xFFFFFFFF;
	p2 =	slt.u32 s8, $0xFFFFF086  }
0x1c: {  	p1 =	slt.u32 s9, $0xF7A;
	s5 =	simm.s32 @!p2 $0x0  }
0x1d: {  	s5 =	simm.s32 @p1 $0x1;
	p0 =	seq.s32 s7, s2  }
0x1e: {  	s7 =	smul.u32 @!p0 $0xF7A, s2;
	p2 =	seq.s32 @!p0 s5, $0x0  }
0x1f: {  	s9 =	smul.u32 $0xF7A, s1;
	s8 =	simm.s32 @!p0 $0x1BF5;
	p2 =	por !p2, p0  }
0x20: {  	[sflag:s8] =	ssyncset.s32 @!p0 $0xFFFFF086;
	s6 =	sadd.s32 @!p0 s3, s7;
	s7 =	simm.s32 @!p0 $0x108  }
0x21: {  	s3 =	sadd.s32 s3, s9;
	s6 =	sadd.s32 @!p0 $0x88, s6;
	s7 =	simm.s32 @p2 $0x1082  }
0x22: {  	[simem:s7], [sflag:s8] =	dma.local @!p0 [hbm:s6], $0xF7A  }
0x23: {  	s9 =	sor.u32 $0xD0000000, s2;
	s6 =	simm.s32 $0x108;
	_ =	swait.ge @!p0 [sflag:s8], $0x0  }
0x24: {  	s3 =	sadd.s32 $0x88, s3;
	s6 =	simm.s32 @!p1 $0x1082;
	[sflag:s4] =	ssyncset.s32 $0xFFFFF086  }
0x25: {  	[simem:s6], [sflag:s4] =	dma.local [hbm:s3], $0xF7A  }
0x26: {  	[smem:$0x3F9E] =	sst s1;
	(tag) =	ssettag s2;
	_ =	strace s9  }
0x27: {  	s1 =	sld [smem:$0x3FAE]  }
0x28: {  	s2 =	sld [smem:$0x3FAF]  }
0x29: {  	s4 =	sld [smem:$0x3FB1]  }
0x2a: {  	p0 =	seq.s32 s5, $0x0;
	s5 =	sld [smem:$0x3FB2]  }
0x2b: {  	s6 =	sld [smem:$0x3FB3]  }
0x2c: {  	s7 =	sld [smem:$0x3FB4]  }
0x2d: {  	s3 =	simm.s32 $0x108;
	s8 =	sld [smem:$0x3FB5]  }
0x2e: {  	s3 =	simm.s32 @!p0 $0x1082;
	s9 =	sld [smem:$0x3FB6]  }
0x2f: {  	lr =	sadd.s32 s0, s3;
	s0 =	sld [smem:$0x3FAD]  }
0x30: {  	s3 =	sld [smem:$0x3FB0]  }
0x31: {  	[smem:$0x3FB9] =	sst s10  }
0x32: {  	s10 =	sld [smem:$0x3FB7];
	_ =	sdelay $0x3  }
0x33: {  	p0 =	seq.s32 s10, $0x1;
	s10 =	sld [smem:$0x3FB9];
	_ =	sdelay $0x3  }
0x34: {  	[smem:$0x3FB9] =	sst s10  }
0x35: {  	s10 =	sld [smem:$0x3FB8];
	_ =	sdelay $0x3  }
0x36: {  	p1 =	seq.s32 s10, $0x1;
	s10 =	sld [smem:$0x3FB9];
	_ =	sdelay $0x3  }
0x37: {  	[smem:$0x3FB9] =	sst s10  }
0x38: {  	s10 =	sld [smem:$0x3FBA]  }
0x39: {  	_ = 	snop;
	(pc) =	sbr.ind lr, $3  }
0x3a: {  	_ = 	snop  }
0x3b: {  	_ = 	snop  }
0x3c: {  	p2 =	seq.s32 s10, $0x1;
	s10 =	sld [smem:$0x3FB9]  }
0x3d: {  	_ =	shalt  }
0x3e: {  	_ =	shalt  }
0x3f: {  	_ =	shalt  }
0x40: {  	_ =	shalt  }
0x41: {  	_ =	shalt  }
0x42: {  	_ =	shalt  }
0x43: {  	_ =	shalt  }
0x44: {  	_ =	shalt  }
0x45: {  	_ =	shalt  }
0x46: {  	_ =	shalt  }
0x47: {  	_ =	shalt  }
0x48: {  	_ =	shalt  }
0x49: {  	_ =	shalt  }
0x4a: {  	_ =	shalt  }
0x4b: {  	_ =	shalt  }
0x4c: {  	_ =	shalt  }
0x4d: {  	_ =	shalt  }
0x4e: {  	_ =	shalt  }
0x4f: {  	_ =	shalt  }
0x50: {  	_ =	shalt  }
0x51: {  	_ =	shalt  }
0x52: {  	_ =	shalt  }
0x53: {  	_ =	shalt  }
0x54: {  	_ =	shalt  }
0x55: {  	_ =	shalt  }
0x56: {  	_ =	shalt  }
0x57: {  	_ =	shalt  }
0x58: {  	_ =	shalt  }
0x59: {  	_ =	shalt  }
0x5a: {  	_ =	shalt  }
0x5b: {  	_ =	shalt  }
0x5c: {  	_ =	shalt  }
0x5d: {  	_ =	shalt  }
0x5e: {  	_ =	shalt  }
0x5f: {  	_ =	shalt  }
0x60: {  	_ =	shalt  }
0x61: {  	_ =	shalt  }
0x62: {  	_ =	shalt  }
0x63: {  	_ =	shalt  }
0x64: {  	_ =	shalt  }
0x65: {  	_ =	shalt  }
0x66: {  	_ =	shalt  }
0x67: {  	_ =	shalt  }
0x68: {  	_ =	shalt  }
0x69: {  	_ =	shalt  }
0x6a: {  	_ =	shalt  }
0x6b: {  	_ =	shalt  }
0x6c: {  	_ =	shalt  }
0x6d: {  	_ =	shalt  }
0x6e: {  	_ =	shalt  }
0x6f: {  	_ =	shalt  }
0x70: {  	_ =	shalt  }
0x71: {  	_ =	shalt  }
0x72: {  	_ =	shalt  }
0x73: {  	_ =	shalt  }
0x74: {  	_ =	shalt  }
0x75: {  	_ =	shalt  }
0x76: {  	_ =	shalt  }
0x77: {  	_ =	shalt  }
0x78: {  	_ =	shalt  }
0x79: {  	_ =	shalt  }
0x7a: {  	_ =	shalt  }
0x7b: {  	_ =	shalt  }
0x7c: {  	_ =	shalt  }
0x7d: {  	_ =	shalt  }
0x7e: {  	_ =	shalt  }
0x7f: {  	_ =	shalt  }
0x80: {  	_ =	shalt  }
0x81: {  	_ =	shalt  }
0x82: {  	_ =	shalt  }
0x83: {  	_ =	shalt  }
0x84: {  	_ =	shalt  }
0x85: {  	_ =	shalt  }
0x86: {  	_ =	shalt  }
0x87: {  	_ =	shalt  }
.Lfunc_end0:
.L_simem_size_0:
called_computation_lowered:
.L_overlay_start_0:
0x88: {  	s2 =	sld [smem:$0x3FD9]  }
0x89: {  	s3 =	sld [smem:$0x3FFE];
	_ =	sdelay $0x1  }
0x8a: {  	s1 =	srdreg.scid  }
0x8b: {  	s0 =	sand.u32 $0x1, s1  }
0x8c: {  	s17 =	sshll.u32 s0, $0xA;
	s2 =	sadd.s32 s3, s2  }
0x8d: {  	s2 =	sadd.s32 s2, s17  }
0x8e: {  	[smem:$0x3FC5] =	sst s2  }
0x8f: {  	_ = 	snop  }
0x90: {  	s2 =	sld [smem:$0x3FD0];
	(tm) =	ssettm $0x1  }
0x91: {  	s18 =	sld [smem:$0x3FFB];
	_ =	sdelay $0x3  }
0x92: {  	_ =	strace s18  }
0x93: {  	s3 =	sld [smem:$0x3FFC];
	_ =	sdelay $0x3  }
0x94: {  	_ =	strace s3  }
0x95: {  	s3 =	sld [smem:$0x3FFD];
	_ =	sdelay $0x3  }
0x96: {  	_ =	strace s3  }
0x97: {  	_ =	strace $0x8FFFFFFF  }
0x98: {  	s19 =	sld [smem:$0x3FDB];
	_ =	sdelay $0x1  }
0x99: {  	s4 =	simm.s32 $_scs_section_size  }
0x9a: {  	s5 =	simm.s32 $_size__tile_overlayer_lowered;
	s6 =	simm.s32 $_tile_overlayer_lowered  }
0x9b: {  	s22 =	simm.s32 $0x1BFF;
	s21 =	sshll.u32 s6, $0x1;
	s3 =	sadd.s32 s4, s19  }
0x9c: {  	s7 =	simm.s32 $0x0;
	s20 =	sshll.u32 s5, $0x1;
	s5 =	sadd.s32 s21, s3  }
0x9d: {  	[timem:s7], [sflag:s22] =	dma.local [hbm:s5], s20  }
0x9e: {  	_ =	swait.ge [sflag:s22], s20  }
0x9f: {  	s4 =	ssub.s32 $0x0, s20;
	[sflag:s22] =	ssyncset.done $0x0  }
0xa0: {  	[sflag:s22] =	ssyncadd.s32 s4;
	_ =	sdelay $0x1  }
0xa1: {  	s23 =	simm.s32 $0x1B8B  }
0xa2: {  	_ =	swait.ge [sflag:s23], $0x1  }
0xa3: {  	[sflag:s23] =	ssyncset.done $0x0  }
0xa4: {  	s25 =	simm.s32 $0x1B8E;
	s24 =	sld [smem:$0x3FFE];
	[sflag:s23] =	ssyncadd.s32 $0xFFFFFFFF  }
0xa5: {  	s26 =	simm.s32 $execute0_lowered;
	[smem:$0x3FD2] =	sst s25  }
0xa6: {  	s5 =	sshll.u32 s26, $0x1;
	_ =	strace $0x80000046;
	[dreg:$0x1] =	wrdreg $0xFFFFFFFF  }
0xa7: {  	s28 =	simm.s32 $_size_execute0_lowered;
	s3 =	sadd.s32 s3, s5;
	[dreg:$0x0] =	wrdreg $0x0  }
0xa8: {  	s5 =	sshll.u32 s28, $0x1;
	[dreg:$0x2] =	wrdreg s3  }
0xa9: {  	[dreg:$0x3] =	wrdreg s5  }
0xaa: {  	[dreg:$0x4] =	wrdreg $0xC0  }
0xab: {  	_ =	task [dreg:s7], $0x5FFFF  }
0xac: {  	[dreg:$0x1] =	wrdreg $0xFFFFFFFF  }
0xad: {  	[dreg:$0x0] =	wrdreg $0x60  }
0xae: {  	[dreg:$0x2] =	wrdreg s2  }
0xaf: {  	[dreg:$0x3] =	wrdreg s24  }
0xb0: {  	[dreg:$0x4] =	wrdreg $0x2B000  }
0xb1: {  	[dreg:$0x5] =	wrdreg $0x9  }
0xb2: {  	_ =	task.clear_ibuf [dreg:s7], $0x6FFFF;
	_ =	strace $0x90000046  }
0xb3: {  	s29 =	simm.s32 $0x9;
	_ =	strace $0x80000048  }
0xb4: {  	_ =	swait.ge [sflag:s29], $0x1  }
0xb5: {  	[sflag:s29] =	ssyncadd.s32 $0xFFFFFFFF  }
0xb6: {  	_ =	strace $0x90000048  }
0xb7: {  	_ =	sfence  }
0xb8: {  	s30 =	sld [smem:$0x0];
	_ =	sdelay $0x2  }
0xb9: {  	s31 =	sshll.u32 s1, $0xD;
	s1 =	sshrl.u32 s1, $0x2  }
0xba: {  	s3 =	sand.u32 $0x4000, s31;
	s1 =	sadd.s32 s1, s30  }
0xbb: {  	s0 =	sor.u32 s3, s0;
	s1 =	sshll.u32 s1, $0x11  }
0xbc: {  	s0 =	sor.u32 s1, s0  }
0xbd: {  	s0 =	sadd.s32 $0x8F2B, s0  }
0xbe: {  	[sflag:s0] =	ssyncadd.remote.s32 $0x1  }
0xbf: {  	_ =	sfence.sel $0xFFFF  }
0xc0: {  	[dreg:$0x0] =	wrdreg $0xFFFFFFFF;
	(pc) =	sbr.abs _section_cstart, $3  }
0xc1: {  	[dreg:$0x1] =	wrdreg $0xFFFFFFFF  }
0xc2: {  	_ =	task.clear_ibuf [dreg:s7], $0x2FFFF;
	_ =	strace $0x9FFFFFFF  }
0xc3: {  	(tm) =	ssettm $0x7FFFFFFF  }
tec
execute0_lowered:
.L_overlay_start_1:
0x0: {  	(tag) =	ssettag $0x1  }
0x1: {  	s5 =	rddreg [dreg:$0x0]  }
0x2: {  	s4 =	rddreg [dreg:$0x1]  }
0x3: {  	s2 =	rddreg [dreg:$0x2]  }
0x4: {  	s0 =	rddreg [dreg:$0x3]  }
0x5: {  	s6 =	srdreg.scid;
	s1 =	stileid.u32  }
0x6: {  	s3 =	simm.s32 $0x0;
	s11 =	simm.s32 $0x2800;
	s12 =	simm.s32 $0x1  }
0x7: {  	s15 =	simm.s32 $0x20;
	s16 =	simm.s32 $0x10;
	s7 =	smul.u32 $0x500, s1  }
0x8: {  	s17 =	simm.s32 $0x0;
	s6 =	sand.u32 $0x1, s6;
	s26 =	smul.u32 $0x2800, s1  }
0x9: {  	[smem:$0x7FF] =	sst s3;
	s10 =	smul.u32 $0xA00, s1;
	s13 =	sshll.u32 s1, $0x6  }
0xa: {  	s8 =	sshll.u32 s6, $0x7;
	s9 =	smul.u32 $0x28000, s6;
	_ =	strace $0x80000047  }
0xb: {  	s6 =	ssub.s32 $0x2, s6;
	s13 =	sor.u32 $0x1C02, s13;
	s7 =	sor.u32 s8, s7  }
0xc: {  	s28 =	sshrl.u32 s6, $0x1;
	s30 =	sshrl.u32 s10, $0x2;
	s10 =	simm.s32 $0x80  }
0xd: {  	s7 =	sshrl.u32 s7, $0x3;
	s8 =	sadd.s32 s26, s9;
	s29 =	ssub.s32 s6, s28  }
0xe: {  	s9 =	simm.s32 $0x2;
	s7 =	sadd.s32 s7, s4;
	s31 =	sshrl.u32 s8, $0x3  }
0xf: {  	s4 =	sadd.s32 s30, s2;
	s8 =	simm.s32 $0x2880;
	s5 =	sadd.s32 s5, s31  }
0x10: {  	v0 =	vimm.f32 $1.000000000e+00;
	v1 =	vimm.f32 $0.0e+00;
	s6 =	sadd.s32 $0x1200, s7;
	s7 =	smax.u32 s29, $0x1;
	s14 =	sshrl.u32 s4, $0x3  }
.LBB2_1:
0x11: {  	[tilespmem:$0x2800] =	vst v0  }
0x12: {  	[tilespmem:$0x2810] =	vst v0  }
0x13: {  	[tilespmem:$0x2820] =	vst v0  }
0x14: {  	[tilespmem:$0x2830] =	vst v0  }
0x15: {  	[tilespmem:$0x2840] =	vst v0  }
0x16: {  	[tilespmem:$0x2850] =	vst v0  }
0x17: {  	[tilespmem:$0x2860] =	vst v0  }
0x18: {  	[tilespmem:$0x2870] =	vst v0  }
0x19: {  	[tilespmem:$0x2880] =	vst v1  }
0x1a: {  	[tilespmem:$0x2890] =	vst v1  }
0x1b: {  	[tilespmem:$0x28A0] =	vst v1  }
0x1c: {  	[tilespmem:$0x28B0] =	vst v1  }
0x1d: {  	[tilespmem:$0x28C0] =	vst v1  }
0x1e: {  	[tilespmem:$0x28D0] =	vst v1  }
0x1f: {  	[tilespmem:$0x28E0] =	vst v1  }
0x20: {  	[tilespmem:$0x28F0] =	vst v1  }
0x21: {  	[tilespmem:$0x2900] =	vst v1  }
0x22: {  	[tilespmem:$0x2910] =	vst v1  }
0x23: {  	[tilespmem:$0x2920] =	vst v1  }
0x24: {  	[tilespmem:$0x2930] =	vst v1  }
0x25: {  	[tilespmem:$0x2940] =	vst v1  }
0x26: {  	[tilespmem:$0x2950] =	vst v1  }
0x27: {  	[tilespmem:$0x2960] =	vst v1  }
0x28: {  	[tilespmem:$0x2970] =	vst v1  }
0x29: {  	[tilespmem:$0x2980] =	vst v1  }
0x2a: {  	[tilespmem:$0x2990] =	vst v1  }
0x2b: {  	[tilespmem:$0x29A0] =	vst v1  }
0x2c: {  	[tilespmem:$0x29B0] =	vst v1  }
0x2d: {  	[tilespmem:$0x29C0] =	vst v1  }
0x2e: {  	[tilespmem:$0x29D0] =	vst v1  }
0x2f: {  	[tilespmem:$0x29E0] =	vst v1  }
0x30: {  	[tilespmem:$0x29F0] =	vst v1  }
0x31: {  	[tilespmem:$0x2A00] =	vst v1  }
0x32: {  	[tilespmem:$0x2A10] =	vst v1  }
0x33: {  	[tilespmem:$0x2A20] =	vst v1  }
0x34: {  	[tilespmem:$0x2A30] =	vst v1  }
0x35: {  	[tilespmem:$0x2A40] =	vst v1  }
0x36: {  	[tilespmem:$0x2A50] =	vst v1  }
0x37: {  	[tilespmem:$0x2A60] =	vst v1  }
0x38: {  	[tilespmem:$0x2A70] =	vst v1  }
0x39: {  	[tilespmem:$0x2A80] =	vst v1  }
0x3a: {  	[tilespmem:$0x2A90] =	vst v1  }
0x3b: {  	[tilespmem:$0x2AA0] =	vst v1  }
0x3c: {  	[tilespmem:$0x2AB0] =	vst v1  }
0x3d: {  	[tilespmem:$0x2AC0] =	vst v1  }
0x3e: {  	[tilespmem:$0x2AD0] =	vst v1  }
0x3f: {  	[tilespmem:$0x2AE0] =	vst v1  }
0x40: {  	[tilespmem:$0x2AF0] =	vst v1  }
0x41: {  	[spmem:s4] =	stream.linear.scatter [tilespmem:s8], [sflag:$0x2], $0x280, $0x38;
	[tilespmem:$0x2D80] =	vst v63  }
0x42: {  	_ =	swait.ge [sflag:s9], $0x280  }
0x43: {  	[sflag:s9] =	ssyncset.done $0x0  }
0x44: {  	[sflag:s9] =	ssyncadd.s32 $0xFFFFFD80  }
0x45: {  	[tilespmem:s3], [sflag:$0x2] =	stream.linear.gather [hbm4b:s5+s3], $0x2780, $0x38;
	[tilespmem:$0x2D80] =	vst v63  }
0x46: {  	_ =	swait.ge [sflag:s9], $0x2780  }
0x47: {  	[sflag:s9] =	ssyncset.done $0x0  }
0x48: {  	[sflag:s9] =	ssyncadd.s32 $0xFFFFD880  }
0x49: {  	s18 =	simm.s32 $0x0;
	[bflag:$0x0] =	sbarrier.arrive $0xFFFF  }
.LBB2_2:
0x4a: {  	p0 =	sne.s32 s18, $0x9C00  }
.Ltmp0:
0x4b: {  	_ = 	snop;
	(pc) =	sbr.rel @p0 .LBB2_2-.Ltmp0, $3  }
0x4c: {  	_ =	sdelay $0x1  }
0x4d: {  	s19 =	sshra.s32 s18, $0x2;
	s18 =	sadd.s32 $0x200, s18  }
0x4e: {  	[spmem:s2] =	stream.indirect.scatter.add.f32 [tilespmem:s11], [sflag:$0x1], $0x1, s19, s10, $0xb8;
	[tilespmem:$0x2D80] =	vst v63  }
0x4f: {  	_ =	swait.ge [sflag:s12], $0x80  }
0x50: {  	s18 =	simm.s32 $0x4E;
	[sflag:s12] =	ssyncset.done $0x0  }
.LBB2_4:
0x51: {  	p0 =	sne.s32 s18, $0x1;
	s18 =	sadd.s32 $0xFFFFFFFF, s18;
	[sflag:s12] =	ssyncadd.s32 $0xFFFFFF80  }
.Ltmp1:
0x52: {  	(pc) =	sbr.rel @p0 .LBB2_4-.Ltmp1, $3  }
0x53: {  	_ =	sdelay $0x1  }
0x54: {  	_ =	swait.ge [sflag:s12], $0x80  }
0x55: {  	[sflag:s12] =	ssyncset.done $0x0  }
0x56: {  	s17 =	sadd.s32 $0x1, s17  }
0x57: {  	[sflag:s12] =	ssyncadd.s32 $0xFFFFFF80;
	p0 =	sne.s32 s17, s7  }
.Ltmp2:
0x58: {  	[bflag:$0x0] =	sbarrier.arrive $0xFFFF;
	(pc) =	sbr.rel @p0 .LBB2_1-.Ltmp2, $4  }
0x59: {  	[hbm:s6@s15], [sflag:s13] =	dma.strided [spmem:s14@s16], $0x50, s12, $0x10   }
0x5a: {  	_ =	swait.ge [sflag:s9], $0x50  }
0x5b: {  	[sflag:s9] =	ssyncset.done $0x0  }
0x5c: {  	[sflag:s9] =	ssyncadd.s32 $0xFFFFFFB0  }
0x5d: {  	_ =	sfence.sel $0x180000  }
0x5e: {  	[bflag:$0x0] =	sbarrier.arrive $0xFFFF  }
0x5f: {  	p0 =	sne.s32 s1, $0x0;
	_ =	strace $0x90000047  }
0x60: {  	s0 =	sadd.s32 @!p0 $0x100000, s0;
	[bflag:$0x2] =	sbarrier.arrive $0xFFFF  }
0x61: {  	[sflag:s0] =	ssyncadd.tile.s32 @!p0 $0x1;
	_ =	shalt  }
.Lfunc_end2:
_tile_overlayer_lowered:
.L_overlay_start_2:
0x62: {  	(tag) =	ssettag $0x2  }
0x63: {  	s0 =	rddreg [dreg:$0x0];
	s2 =	stileid.u32  }
0x64: {  	s1 =	rddreg [dreg:$0x1];
	p0 =	sne.s32 s2, $0x0  }
0x65: {  	s3 =	rddreg [dreg:$0x2];
	[bflag:$0x3] =	sbarrier.arrive $0xFFFF;
	s2 =	simm.s32 @!p0 $0x1C02  }
0x66: {  	[timem:s3], [sflag:s2] =	dma.local @!p0 [hbm:s0], s1  }
0x67: {  	s0 =	simm.s32 @!p0 $0x2  }
0x68: {  	_ =	swait.ge @!p0 [sflag:s0], s1  }
0x69: {  	s1 =	ssub.s32 @!p0 $0x0, s1;
	[sflag:s0] =	ssyncset.done @!p0 $0x0  }
0x6a: {  	[sflag:s0] =	ssyncadd.s32 @!p0 s1  }
0x6b: {  	[bflag:$0x3] =	sbarrier.arrive $0xFFFF  }
0x6c: {  	_ =	shalt  }

// kernel: kernel.9.cloned.1.call-start
scs
__scs_entry_jumppad:
0x0: {  	(pc) =	sbr.rel $0x88, $3  }
0x1: {  	(tag) =	ssettag $0x0;
	lr =	simm.s32 $0x1  }
0x2: {  	[smem:$0x3F9E] =	sst lr;
	_ =	strace $0xD0000000  }
0x3: {  	_ = 	snop  }
0x4: {  	_ = 	snop  }
0x5: {  	_ = 	snop  }
0x6: {  	_ = 	snop  }
0x7: {  	_ = 	snop  }
__scs_overlays_trampoline_lowered:
0x8: {  	[smem:$0x3FAD] =	sst s0  }
0x9: {  	[smem:$0x3FAE] =	sst s1  }
0xa: {  	[smem:$0x3FAF] =	sst s2  }
0xb: {  	[smem:$0x3FB0] =	sst s3  }
0xc: {  	[smem:$0x3FB1] =	sst s4  }
0xd: {  	[smem:$0x3FB2] =	sst s5  }
0xe: {  	[smem:$0x3FB3] =	sst s6  }
0xf: {  	[smem:$0x3FB4] =	sst s7  }
0x10: {  	[smem:$0x3FB5] =	sst s8  }
0x11: {  	[smem:$0x3FB6] =	sst s9;
	s0 =	simm.s32 @!p0 $0x0  }
0x12: {  	s1 =	sld [smem:$0x3F9C];
	s0 =	simm.s32 @p0 $0x1  }
0x13: {  	[smem:$0x3FB7] =	sst s0;
	s0 =	simm.s32 @!p1 $0x0  }
0x14: {  	s2 =	sld [smem:$0x3F9B];
	s0 =	simm.s32 @p1 $0x1  }
0x15: {  	[smem:$0x3FB8] =	sst s0;
	s0 =	simm.s32 @!p2 $0x0  }
0x16: {  	s3 =	sld [smem:$0x3FDB];
	s0 =	simm.s32 @p2 $0x1  }
0x17: {  	s4 =	simm.s32 $0x1BF5;
	[smem:$0x3FBA] =	sst s0  }
0x18: {  	s0 =	sld [smem:$0x3F9D];
	_ =	swait.ge [sflag:s4], $0x0  }
0x19: {  	s7 =	sld [smem:$0x3F9E]  }
0x1a: {  	s8 =	sadd.s32 $0xFFFFE003, lr  }
0x1b: {  	s9 =	sadd.s32 $0xFFFFFEF7, lr;
	s5 =	simm.s32 $0xFFFFFFFF;
	p2 =	slt.u32 s8, $0xFFFFF086  }
0x1c: {  	p1 =	slt.u32 s9, $0xF7A;
	s5 =	simm.s32 @!p2 $0x0  }
0x1d: {  	s5 =	simm.s32 @p1 $0x1;
	p0 =	seq.s32 s7, s2  }
0x1e: {  	s7 =	smul.u32 @!p0 $0xF7A, s2;
	p2 =	seq.s32 @!p0 s5, $0x0  }
0x1f: {  	s9 =	smul.u32 $0xF7A, s1;
	s8 =	simm.s32 @!p0 $0x1BF5;
	p2 =	por !p2, p0  }
0x20: {  	[sflag:s8] =	ssyncset.s32 @!p0 $0xFFFFF086;
	s6 =	sadd.s32 @!p0 s3, s7;
	s7 =	simm.s32 @!p0 $0x108  }
0x21: {  	s3 =	sadd.s32 s3, s9;
	s6 =	sadd.s32 @!p0 $0x88, s6;
	s7 =	simm.s32 @p2 $0x1082  }
0x22: {  	[simem:s7], [sflag:s8] =	dma.local @!p0 [hbm:s6], $0xF7A  }
0x23: {  	s9 =	sor.u32 $0xD0000000, s2;
	s6 =	simm.s32 $0x108;
	_ =	swait.ge @!p0 [sflag:s8], $0x0  }
0x24: {  	s3 =	sadd.s32 $0x88, s3;
	s6 =	simm.s32 @!p1 $0x1082;
	[sflag:s4] =	ssyncset.s32 $0xFFFFF086  }
0x25: {  	[simem:s6], [sflag:s4] =	dma.local [hbm:s3], $0xF7A  }
0x26: {  	[smem:$0x3F9E] =	sst s1;
	(tag) =	ssettag s2;
	_ =	strace s9  }
0x27: {  	s1 =	sld [smem:$0x3FAE]  }
0x28: {  	s2 =	sld [smem:$0x3FAF]  }
0x29: {  	s4 =	sld [smem:$0x3FB1]  }
0x2a: {  	p0 =	seq.s32 s5, $0x0;
	s5 =	sld [smem:$0x3FB2]  }
0x2b: {  	s6 =	sld [smem:$0x3FB3]  }
0x2c: {  	s7 =	sld [smem:$0x3FB4]  }
0x2d: {  	s3 =	simm.s32 $0x108;
	s8 =	sld [smem:$0x3FB5]  }
0x2e: {  	s3 =	simm.s32 @!p0 $0x1082;
	s9 =	sld [smem:$0x3FB6]  }
0x2f: {  	lr =	sadd.s32 s0, s3;
	s0 =	sld [smem:$0x3FAD]  }
0x30: {  	s3 =	sld [smem:$0x3FB0]  }
0x31: {  	[smem:$0x3FB9] =	sst s10  }
0x32: {  	s10 =	sld [smem:$0x3FB7];
	_ =	sdelay $0x3  }
0x33: {  	p0 =	seq.s32 s10, $0x1;
	s10 =	sld [smem:$0x3FB9];
	_ =	sdelay $0x3  }
0x34: {  	[smem:$0x3FB9] =	sst s10  }
0x35: {  	s10 =	sld [smem:$0x3FB8];
	_ =	sdelay $0x3  }
0x36: {  	p1 =	seq.s32 s10, $0x1;
	s10 =	sld [smem:$0x3FB9];
	_ =	sdelay $0x3  }
0x37: {  	[smem:$0x3FB9] =	sst s10  }
0x38: {  	s10 =	sld [smem:$0x3FBA]  }
0x39: {  	_ = 	snop;
	(pc) =	sbr.ind lr, $3  }
0x3a: {  	_ = 	snop  }
0x3b: {  	_ = 	snop  }
0x3c: {  	p2 =	seq.s32 s10, $0x1;
	s10 =	sld [smem:$0x3FB9]  }
0x3d: {  	_ =	shalt  }
0x3e: {  	_ =	shalt  }
0x3f: {  	_ =	shalt  }
0x40: {  	_ =	shalt  }
0x41: {  	_ =	shalt  }
0x42: {  	_ =	shalt  }
0x43: {  	_ =	shalt  }
0x44: {  	_ =	shalt  }
0x45: {  	_ =	shalt  }
0x46: {  	_ =	shalt  }
0x47: {  	_ =	shalt  }
0x48: {  	_ =	shalt  }
0x49: {  	_ =	shalt  }
0x4a: {  	_ =	shalt  }
0x4b: {  	_ =	shalt  }
0x4c: {  	_ =	shalt  }
0x4d: {  	_ =	shalt  }
0x4e: {  	_ =	shalt  }
0x4f: {  	_ =	shalt  }
0x50: {  	_ =	shalt  }
0x51: {  	_ =	shalt  }
0x52: {  	_ =	shalt  }
0x53: {  	_ =	shalt  }
0x54: {  	_ =	shalt  }
0x55: {  	_ =	shalt  }
0x56: {  	_ =	shalt  }
0x57: {  	_ =	shalt  }
0x58: {  	_ =	shalt  }
0x59: {  	_ =	shalt  }
0x5a: {  	_ =	shalt  }
0x5b: {  	_ =	shalt  }
0x5c: {  	_ =	shalt  }
0x5d: {  	_ =	shalt  }
0x5e: {  	_ =	shalt  }
0x5f: {  	_ =	shalt  }
0x60: {  	_ =	shalt  }
0x61: {  	_ =	shalt  }
0x62: {  	_ =	shalt  }
0x63: {  	_ =	shalt  }
0x64: {  	_ =	shalt  }
0x65: {  	_ =	shalt  }
0x66: {  	_ =	shalt  }
0x67: {  	_ =	shalt  }
0x68: {  	_ =	shalt  }
0x69: {  	_ =	shalt  }
0x6a: {  	_ =	shalt  }
0x6b: {  	_ =	shalt  }
0x6c: {  	_ =	shalt  }
0x6d: {  	_ =	shalt  }
0x6e: {  	_ =	shalt  }
0x6f: {  	_ =	shalt  }
0x70: {  	_ =	shalt  }
0x71: {  	_ =	shalt  }
0x72: {  	_ =	shalt  }
0x73: {  	_ =	shalt  }
0x74: {  	_ =	shalt  }
0x75: {  	_ =	shalt  }
0x76: {  	_ =	shalt  }
0x77: {  	_ =	shalt  }
0x78: {  	_ =	shalt  }
0x79: {  	_ =	shalt  }
0x7a: {  	_ =	shalt  }
0x7b: {  	_ =	shalt  }
0x7c: {  	_ =	shalt  }
0x7d: {  	_ =	shalt  }
0x7e: {  	_ =	shalt  }
0x7f: {  	_ =	shalt  }
0x80: {  	_ =	shalt  }
0x81: {  	_ =	shalt  }
0x82: {  	_ =	shalt  }
0x83: {  	_ =	shalt  }
0x84: {  	_ =	shalt  }
0x85: {  	_ =	shalt  }
0x86: {  	_ =	shalt  }
0x87: {  	_ =	shalt  }
.Lfunc_end0:
.L_simem_size_0:
called_computation.1_lowered:
.L_overlay_start_0:
0x88: {  	s2 =	sld [smem:$0x3FD9]  }
0x89: {  	s3 =	sld [smem:$0x3FFE];
	_ =	sdelay $0x1  }
0x8a: {  	s1 =	srdreg.scid  }
0x8b: {  	s0 =	sand.u32 $0x1, s1  }
0x8c: {  	s17 =	sshll.u32 s0, $0xA;
	s2 =	sadd.s32 s3, s2  }
0x8d: {  	s2 =	sadd.s32 s2, s17  }
0x8e: {  	[smem:$0x3FC5] =	sst s2  }
0x8f: {  	_ = 	snop  }
0x90: {  	s2 =	sld [smem:$0x3FD0];
	(tm) =	ssettm $0x1  }
0x91: {  	s18 =	sld [smem:$0x3FFB];
	_ =	sdelay $0x3  }
0x92: {  	_ =	strace s18  }
0x93: {  	s3 =	sld [smem:$0x3FFC];
	_ =	sdelay $0x3  }
0x94: {  	_ =	strace s3  }
0x95: {  	s3 =	sld [smem:$0x3FFD];
	_ =	sdelay $0x3  }
0x96: {  	_ =	strace s3  }
0x97: {  	_ =	strace $0x8FFFFFFF  }
0x98: {  	s19 =	sld [smem:$0x3FDB];
	_ =	sdelay $0x1  }
0x99: {  	s4 =	simm.s32 $_scs_section_size  }
0x9a: {  	s5 =	simm.s32 $_size__tile_overlayer_lowered;
	s6 =	simm.s32 $_tile_overlayer_lowered  }
0x9b: {  	s22 =	simm.s32 $0x1BFF;
	s21 =	sshll.u32 s6, $0x1;
	s3 =	sadd.s32 s4, s19  }
0x9c: {  	s7 =	simm.s32 $0x0;
	s20 =	sshll.u32 s5, $0x1;
	s5 =	sadd.s32 s21, s3  }
0x9d: {  	[timem:s7], [sflag:s22] =	dma.local [hbm:s5], s20  }
0x9e: {  	_ =	swait.ge [sflag:s22], s20  }
0x9f: {  	s4 =	ssub.s32 $0x0, s20;
	[sflag:s22] =	ssyncset.done $0x0  }
0xa0: {  	[sflag:s22] =	ssyncadd.s32 s4;
	_ =	sdelay $0x1  }
0xa1: {  	s23 =	simm.s32 $0x1B8B  }
0xa2: {  	_ =	swait.ge [sflag:s23], $0x1  }
0xa3: {  	[sflag:s23] =	ssyncset.done $0x0  }
0xa4: {  	s25 =	simm.s32 $0x1B8E;
	s24 =	sld [smem:$0x3FFE];
	[sflag:s23] =	ssyncadd.s32 $0xFFFFFFFF  }
0xa5: {  	s26 =	simm.s32 $execute0_lowered;
	[smem:$0x3FD2] =	sst s25  }
0xa6: {  	s5 =	sshll.u32 s26, $0x1;
	_ =	strace $0x80000049;
	[dreg:$0x1] =	wrdreg $0xFFFFFFFF  }
0xa7: {  	s28 =	simm.s32 $_size_execute0_lowered;
	s3 =	sadd.s32 s3, s5;
	[dreg:$0x0] =	wrdreg $0x0  }
0xa8: {  	s5 =	sshll.u32 s28, $0x1;
	[dreg:$0x2] =	wrdreg s3  }
0xa9: {  	[dreg:$0x3] =	wrdreg s5  }
0xaa: {  	[dreg:$0x4] =	wrdreg $0xC0  }
0xab: {  	_ =	task [dreg:s7], $0x5FFFF  }
0xac: {  	[dreg:$0x1] =	wrdreg $0xFFFFFFFF  }
0xad: {  	[dreg:$0x0] =	wrdreg $0x60  }
0xae: {  	[dreg:$0x2] =	wrdreg s24  }
0xaf: {  	[dreg:$0x3] =	wrdreg s2  }
0xb0: {  	[dreg:$0x4] =	wrdreg $0x98000  }
0xb1: {  	[dreg:$0x5] =	wrdreg $0x9  }
0xb2: {  	_ =	task.clear_ibuf [dreg:s7], $0x6FFFF;
	_ =	strace $0x90000049  }
0xb3: {  	s29 =	simm.s32 $0x9;
	_ =	strace $0x8000004B  }
0xb4: {  	_ =	swait.ge [sflag:s29], $0x1  }
0xb5: {  	[sflag:s29] =	ssyncadd.s32 $0xFFFFFFFF  }
0xb6: {  	_ =	strace $0x9000004B  }
0xb7: {  	_ =	sfence  }
0xb8: {  	s30 =	sld [smem:$0x0];
	_ =	sdelay $0x2  }
0xb9: {  	s31 =	sshll.u32 s1, $0xD;
	s1 =	sshrl.u32 s1, $0x2  }
0xba: {  	s3 =	sand.u32 $0x4000, s31;
	s1 =	sadd.s32 s1, s30  }
0xbb: {  	s0 =	sor.u32 s3, s0;
	s1 =	sshll.u32 s1, $0x11  }
0xbc: {  	s0 =	sor.u32 s1, s0  }
0xbd: {  	s0 =	sadd.s32 $0x8F2B, s0  }
0xbe: {  	[sflag:s0] =	ssyncadd.remote.s32 $0x1  }
0xbf: {  	_ =	sfence.sel $0xFFFF  }
0xc0: {  	[dreg:$0x0] =	wrdreg $0xFFFFFFFF;
	(pc) =	sbr.abs _section_cstart, $3  }
0xc1: {  	[dreg:$0x1] =	wrdreg $0xFFFFFFFF  }
0xc2: {  	_ =	task.clear_ibuf [dreg:s7], $0x2FFFF;
	_ =	strace $0x9FFFFFFF  }
0xc3: {  	(tm) =	ssettm $0x7FFFFFFF  }
tec
execute0_lowered:
.L_overlay_start_1:
0x0: {  	(tag) =	ssettag $0x1  }
0x1: {  	s5 =	rddreg [dreg:$0x0]  }
0x2: {  	s6 =	rddreg [dreg:$0x1]  }
0x3: {  	s0 =	srdreg.scid;
	s1 =	stileid.u32  }
0x4: {  	s2 =	rddreg [dreg:$0x2];
	s8 =	smul.u32 $0x2800, s1  }
0x5: {  	s3 =	simm.s32 $0x0;
	s13 =	simm.s32 $0x80;
	s10 =	smul.u32 $0x14000, s1  }
0x6: {  	s7 =	sand.u32 $0x1, s0;
	s0 =	rddreg [dreg:$0x3];
	s11 =	smul.u32 $0x50000, s1  }
0x7: {  	s14 =	simm.s32 $0x5000;
	[smem:$0x7FF] =	sst s3;
	s4 =	smul.u32 $0x28000, s7  }
0x8: {  	s15 =	sshll.u32 s1, $0x6;
	s9 =	smul.u32 $0x140000, s7;
	s7 =	ssub.s32 $0x2, s7  }
0x9: {  	_ =	strace $0x8000004A;
	s15 =	sor.u32 $0x1C01, s15;
	s31 =	sshrl.u32 s7, $0x1  }
0xa: {  	s11 =	sshrl.u32 s11, $0x2;
	s8 =	sadd.s32 s8, s4;
	s9 =	sadd.s32 s10, s9  }
0xb: {  	s4 =	sadd.s32 $0xBC00, s5;
	s8 =	sshrl.u32 s8, $0x3;
	s9 =	sshrl.u32 s9, $0x3  }
0xc: {  	s10 =	ssub.s32 s7, s31;
	s12 =	sadd.s32 s8, s5;
	s9 =	sadd.s32 s9, s5  }
0xd: {  	s5 =	sadd.s32 s11, s2;
	s6 =	sadd.s32 s6, s8;
	s11 =	simm.s32 $0x1  }
0xe: {  	s7 =	sadd.s32 $0x1C00, s12;
	s8 =	sadd.s32 $0x33C00, s9;
	s9 =	smax.u32 s10, $0x1  }
0xf: {  	v0 =	vimm.f32 $0.0e+00;
	s10 =	simm.s32 $0x9000;
	s12 =	simm.s32 $0x2800;
	s16 =	sshrl.u32 s5, $0x3  }
.LBB2_1:
0x10: {  	s17 =	simm.s32 $0x0;
	s18 =	simm.s32 $0x200  }
.LBB2_2:
0x11: {  	p0 =	sne.s32 s18, $0x1E00;
	[tilespmem:s17+$0x9070] =	vst v0  }
0x12: {  	[tilespmem:s17+$0x9000] =	vst v0  }
0x13: {  	[tilespmem:s17+$0x9010] =	vst v0  }
.Ltmp0:
0x14: {  	[tilespmem:s17+$0x9020] =	vst v0;
	(pc) =	sbr.rel @p0 .LBB2_2-.Ltmp0, $4  }
0x15: {  	[tilespmem:s17+$0x9030] =	vst v0  }
0x16: {  	[tilespmem:s17+$0x9040] =	vst v0  }
0x17: {  	[tilespmem:s17+$0x9050] =	vst v0  }
0x18: {  	[tilespmem:s17+$0x9060] =	vst v0;
	s17 =	sshra.s32 s18, $0x2;
	s18 =	sadd.s32 $0x200, s18  }
0x19: {  	[tilespmem:s17+$0x9070] =	vst v0  }
0x1a: {  	[tilespmem:s17+$0x9000] =	vst v0  }
0x1b: {  	[tilespmem:s17+$0x9010] =	vst v0  }
0x1c: {  	[tilespmem:s17+$0x9020] =	vst v0  }
0x1d: {  	[tilespmem:s17+$0x9030] =	vst v0  }
0x1e: {  	[tilespmem:s17+$0x9040] =	vst v0  }
0x1f: {  	[tilespmem:s17+$0x9050] =	vst v0  }
0x20: {  	[tilespmem:s17+$0x9060] =	vst v0;
	s31 =	sadd.s32 $0x0, s5  }
0x21: {  	[spmem:s31] =	stream.linear.scatter [tilespmem:s10], [sflag:$0x1], $0x800, $0x38;
	[tilespmem:$0x1D800] =	vst v63  }
0x22: {  	s17 =	simm.s32 $0x2000;
	_ =	swait.ge [sflag:s11], $0x800  }
.LBB2_4:
0x23: {  	s18 =	sshra.s32 s17, $0x2;
	[sflag:s11] =	ssyncset.done $0x0;
	p0 =	sne.s32 s17, $0x4E000  }
.Ltmp1:
0x24: {  	s18 =	sadd.s32 s18, s5;
	[sflag:s11] =	ssyncadd.s32 $0xFFFFF800;
	(pc) =	sbr.rel @p0 .LBB2_4-.Ltmp1, $3  }
0x25: {  	[spmem:s18] =	stream.linear.scatter [tilespmem:s10], [sflag:$0x1], $0x800, $0x38;
	[tilespmem:$0x1D800] =	vst v63  }
0x26: {  	s17 =	sadd.s32 $0x2000, s17;
	_ =	sdelay $0x1  }
0x27: {  	_ =	swait.ge [sflag:s11], $0x800  }
0x28: {  	[sflag:s11] =	ssyncset.done $0x0  }
0x29: {  	s17 =	simm.s32 $0x0;
	[sflag:s11] =	ssyncadd.s32 $0xFFFFF800  }
0x2a: {  	[tilespmem:s17], [sflag:$0x1] =	stream.linear.gather [hbm4b:s6+s17], $0x2780, $0x38;
	[tilespmem:$0x1D800] =	vst v63  }
0x2b: {  	_ =	swait.ge [sflag:s11], $0x2780  }
0x2c: {  	[sflag:s11] =	ssyncset.done $0x0  }
0x2d: {  	[sflag:s11] =	ssyncadd.s32 $0xFFFFD880  }
0x2e: {  	[tilespmem:s12], [sflag:$0x1] =	stream.linear.gather [hbm4b:s7+s17], $0x2780, $0x38;
	[tilespmem:$0x1D800] =	vst v63  }
0x2f: {  	_ =	swait.ge [sflag:s11], $0x2780  }
0x30: {  	[sflag:s11] =	ssyncset.done $0x0  }
0x31: {  	[sflag:s11] =	ssyncadd.s32 $0xFFFFD880  }
0x32: {  	s30 =	simm.s32 $0x2800;
	[bflag:$0x0] =	sbarrier.arrive $0xFFFF  }
0x33: {  	[tilespmem:s14], [sflag:$0x1] =	stream.indirect.gather [hbm4b:s4+s13], $0x80, s30, s13, $0xb8;
	[tilespmem:$0x1D800] =	vst v63  }
0x34: {  	_ =	swait.ge [sflag:s11], $0x4000  }
0x35: {  	[sflag:s11] =	ssyncset.done $0x0  }
0x36: {  	s31 =	simm.s32 $0x0;
	[sflag:s11] =	ssyncadd.s32 $0xFFFFC000  }
0x37: {  	[spmem:s2] =	stream.indirect.scatter.add.f32 [tilespmem:s14], [sflag:$0x1], $0x80, s31, s13, $0xb8;
	[tilespmem:$0x1D800] =	vst v63  }
0x38: {  	_ =	swait.ge [sflag:s11], $0x4000  }
0x39: {  	s18 =	simm.s32 $0x400;
	s17 =	simm.s32 $0x80;
	[sflag:s11] =	ssyncset.done $0x0  }
.LBB2_6:
0x3a: {  	s19 =	sadd.s32 $0x2800, s17  }
0x3b: {  	[sflag:s11] =	ssyncadd.s32 $0xFFFFC000;
	s20 =	smov.u32 s18;
	s21 =	sadd.s32 $0x200, s18  }
0x3c: {  	[tilespmem:s14], [sflag:$0x1] =	stream.indirect.gather [hbm4b:s4+s13], $0x80, s19, s13, $0xb8;
	[tilespmem:$0x1D800] =	vst v63  }
0x3d: {  	p0 =	sne.s32 s18, $0x9C00;
	_ =	swait.ge [sflag:s11], $0x4000  }
.Ltmp2:
0x3e: {  	[sflag:s11] =	ssyncset.done $0x0;
	(pc) =	sbr.rel @p0 .LBB2_6-.Ltmp2, $4  }
0x3f: {  	[sflag:s11] =	ssyncadd.s32 $0xFFFFC000  }
0x40: {  	[spmem:s2] =	stream.indirect.scatter.add.f32 [tilespmem:s14], [sflag:$0x1], $0x80, s17, s13, $0xb8;
	[tilespmem:$0x1D800] =	vst v63  }
0x41: {  	_ =	swait.ge [sflag:s11], $0x4000  }
0x42: {  	s18 =	smov.u32 s21;
	s17 =	sshra.s32 s20, $0x2;
	[sflag:s11] =	ssyncset.done $0x0  }
0x43: {  	s18 =	sadd.s32 $0x2800, s17;
	[sflag:s11] =	ssyncadd.s32 $0xFFFFC000  }
0x44: {  	[tilespmem:s14], [sflag:$0x1] =	stream.indirect.gather [hbm4b:s4+s13], $0x80, s18, s13, $0xb8;
	[tilespmem:$0x1D800] =	vst v63  }
0x45: {  	_ =	swait.ge [sflag:s11], $0x4000  }
0x46: {  	[sflag:s11] =	ssyncset.done $0x0  }
0x47: {  	[sflag:s11] =	ssyncadd.s32 $0xFFFFC000  }
0x48: {  	[spmem:s2] =	stream.indirect.scatter.add.f32 [tilespmem:s14], [sflag:$0x1], $0x80, s17, s13, $0xb8;
	[tilespmem:$0x1D800] =	vst v63  }
0x49: {  	_ =	swait.ge [sflag:s11], $0x4000  }
0x4a: {  	s3 =	sadd.s32 $0x1, s3;
	[sflag:s11] =	ssyncset.done $0x0  }
0x4b: {  	p0 =	sne.s32 s3, s9;
	[sflag:s11] =	ssyncadd.s32 $0xFFFFC000  }
.Ltmp3:
0x4c: {  	[bflag:$0x0] =	sbarrier.arrive $0xFFFF;
	(pc) =	sbr.rel @p0 .LBB2_1-.Ltmp3, $4  }
0x4d: {  	[hbm:s8], [sflag:s15] =	dma.local [spmem:s16], $0x2800  }
0x4e: {  	_ =	swait.ge [sflag:s11], $0x2800  }
0x4f: {  	[sflag:s11] =	ssyncset.done $0x0  }
0x50: {  	[sflag:s11] =	ssyncadd.s32 $0xFFFFD800  }
0x51: {  	_ =	sfence.sel $0x180000  }
0x52: {  	[bflag:$0x0] =	sbarrier.arrive $0xFFFF  }
0x53: {  	p0 =	sne.s32 s1, $0x0;
	_ =	strace $0x9000004A  }
0x54: {  	s0 =	sadd.s32 @!p0 $0x100000, s0;
	[bflag:$0x2] =	sbarrier.arrive $0xFFFF  }
0x55: {  	[sflag:s0] =	ssyncadd.tile.s32 @!p0 $0x1;
	_ =	shalt  }
.Lfunc_end2:
_tile_overlayer_lowered:
.L_overlay_start_2:
0x56: {  	(tag) =	ssettag $0x2  }
0x57: {  	s0 =	rddreg [dreg:$0x0];
	s2 =	stileid.u32  }
0x58: {  	s1 =	rddreg [dreg:$0x1];
	p0 =	sne.s32 s2, $0x0  }
0x59: {  	s3 =	rddreg [dreg:$0x2];
	[bflag:$0x3] =	sbarrier.arrive $0xFFFF;
	s2 =	simm.s32 @!p0 $0x1C01  }
0x5a: {  	[timem:s3], [sflag:s2] =	dma.local @!p0 [hbm:s0], s1  }
0x5b: {  	s0 =	simm.s32 @!p0 $0x1  }
0x5c: {  	_ =	swait.ge @!p0 [sflag:s0], s1  }
0x5d: {  	s1 =	ssub.s32 @!p0 $0x0, s1;
	[sflag:s0] =	ssyncset.done @!p0 $0x0  }
0x5e: {  	[sflag:s0] =	ssyncadd.s32 @!p0 s1  }
0x5f: {  	[bflag:$0x3] =	sbarrier.arrive $0xFFFF  }
0x60: {  	_ =	shalt  }

</sc_bundles>
